<compile_context>
chip_gen: v7x
topology: tpu7x:2x2x1
jax: 0.10.2.dev20260603
libtpu: 0.0.44.dev20260713+nightly
codegen_flags: <defaults>
</compile_context>

<pallas_src>
import functools

import jax
import jax.numpy as jnp
from jax import lax
from jax.experimental import pallas as pl
from jax.experimental.pallas import tpu as pltpu
from jax.experimental.pallas import tpu_sc as plsc


_GROUP = 8
_NBUF = 2
_CB = 16384


def _densify_block(x_ref, o_ref):
    o_ref[:, 0:64] = x_ref[...].T


def _densify(table_t):
    d, v = table_t.shape
    grid = (v + _CB - 1) // _CB
    return pl.pallas_call(
        _densify_block,
        grid=(grid,),
        in_specs=[pl.BlockSpec((d, _CB), lambda i: (0, i))],
        out_specs=pl.BlockSpec((_CB, 128), lambda i: (i, 0)),
        out_shape=jax.ShapeDtypeStruct((grid * _CB, 128), jnp.float32),
    )(table_t)


@functools.partial(jax.jit, static_argnames=("n_workers", "d"))
def _gather_sc(idx2, table_t, n_workers, d):
    dense = _densify(table_t)

    b, l = idx2.shape
    mesh = plsc.VectorSubcoreMesh(core_axis_name="c", subcore_axis_name="s")
    nc = mesh.num_cores
    b_per_w = b // n_workers
    n_groups = b_per_w // _GROUP

    @functools.partial(
        pl.kernel,
        out_type=jax.ShapeDtypeStruct((b, l, 128), jnp.float32),
        mesh=mesh,
        scratch_types=[
            pltpu.VMEM((b_per_w, l), jnp.int32),
            pltpu.VMEM((_NBUF, _GROUP, l, 128), jnp.float32),
            pltpu.SemaphoreType.DMA,
            pltpu.SemaphoreType.DMA,
            pltpu.SemaphoreType.DMA,
        ],
        compiler_params=pltpu.CompilerParams(use_tc_tiling_on_sc=True),
    )
    def k(idx_hbm, table_hbm, out_hbm, idx_v, rows_v, gsem, osem0, osem1):
        wid = lax.axis_index("s") * nc + lax.axis_index("c")
        base = wid * b_per_w
        pltpu.sync_copy(idx_hbm.at[pl.ds(base, b_per_w)], idx_v)
        osems = (osem0, osem1)

        def group(g, _):
            def for_buf(buf):
                @pl.when(g >= _NBUF)
                def _():
                    pltpu.make_async_copy(
                        rows_v.at[buf],
                        out_hbm.at[pl.ds(base + (g - _NBUF) * _GROUP, _GROUP)],
                        osems[buf],
                    ).wait()

                for c in range(_GROUP):
                    pltpu.make_async_copy(
                        table_hbm.at[idx_v.at[g * _GROUP + c]],
                        rows_v.at[buf, c],
                        gsem,
                    ).start()
                for c in range(_GROUP):
                    pltpu.make_async_copy(
                        table_hbm.at[idx_v.at[g * _GROUP + c]],
                        rows_v.at[buf, c],
                        gsem,
                    ).wait()

                pltpu.make_async_copy(
                    rows_v.at[buf],
                    out_hbm.at[pl.ds(base + g * _GROUP, _GROUP)],
                    osems[buf],
                ).start()

            for buf in range(_NBUF):
                pl.when(lax.rem(g, _NBUF) == buf)(lambda bb=buf: for_buf(bb))
            return 0

        lax.fori_loop(0, n_groups, group, 0)

        for t in range(_NBUF):
            g = n_groups - _NBUF + t
            pltpu.make_async_copy(
                rows_v.at[g % _NBUF],
                out_hbm.at[pl.ds(base + g * _GROUP, _GROUP)],
                osems[g % _NBUF],
            ).wait()

    return k(idx2, dense)[:, :, :d]


def kernel(indices, table):
    b, l = indices.shape
    v, d = table.shape
    info = plsc.get_sparse_core_info()
    n_workers = info.num_cores * info.num_subcores
    assert b % (n_workers * _GROUP) == 0
    idx2 = indices.astype(jnp.int32)
    return _gather_sc(idx2, table.T, n_workers, d)

# --- scband reference (transcript-rebuilt; emitter-appended) ---
"""Pipeline reference for scband-word-embedding-47296179864127 (READ-ONLY COPY).

The authoritative reference and input builder live on the scoring server;
editing this copy changes nothing except your own understanding.
"""

import jax, jax.numpy as jnp
import numpy as np

VOCAB = 1000000
N_WORD = 64
B = 4096
L = 50

def setup_inputs(seed: int = 0) -> dict:
    key = jax.random.key(seed)
    k1, k2 = jax.random.split(key)
    indices = jax.random.randint(k1, (B, L), 0, VOCAB, dtype=jnp.int64) if jax.config.jax_enable_x64 else jax.random.randint(k1, (B, L), 0, VOCAB, dtype=jnp.int32)
    table = jax.random.normal(k2, (VOCAB, N_WORD), dtype=jnp.float32) * 0.1
    return {"indices": indices, "table": table}

def reference(indices, table):
    # Faithful translation of the trainable-path lookup:
    # val_inp_var = self.embedding(val_tok_var)  -> gather rows of the embedding table
    return jnp.take(table, indices, axis=0)

if __name__ == "__main__":
    import jax
    _d = setup_inputs()
    print(jax.jit(kernel)(*tuple(_d.values())))

</pallas_src>

<mosaic_0001>
#map = affine_map<(d0, d1) -> (0, 0)>
#map1 = affine_map<(d0, d1) -> (0, 0, 0)>
module attributes {stable_mosaic.version = 14 : i64} {
  func.func @k(%arg0: i32, %arg1: i32, %arg2: memref<4096x50xi32, #tpu.memory_space<hbm>>, %arg3: memref<1015808x128xf32, #tpu.memory_space<hbm>>, %arg4: memref<4096x50x128xf32, #tpu.memory_space<hbm>>, %arg5: memref<128x50xi32, #tpu.memory_space<vmem>>, %arg6: memref<2x8x50x128xf32, #tpu.memory_space<vmem>>, %arg7: memref<!tpu.dma_semaphore, #tpu.memory_space<semaphore_mem>>, %arg8: memref<!tpu.dma_semaphore, #tpu.memory_space<semaphore_mem>>, %arg9: memref<!tpu.dma_semaphore, #tpu.memory_space<semaphore_mem>>) attributes {dimension_semantics = [#tpu.dimension_semantics<core_parallel>, #tpu.dimension_semantics<subcore_parallel>], iteration_bounds = array<i64: 2, 16>, scalar_prefetch = 0 : i64, scratch_operands = 5 : i64, tpu.core_type = #tpu.core_type<sc_vector_subcore>, window_params = [{transform_indices = #map}, {transform_indices = #map}, {transform_indices = #map1}]} {
    %mul3A = arith.constant 2 : i32
    %mul3A_0 = arith.muli %arg1, %mul3A : i32
    %add3A = arith.addi %mul3A_0, %arg0 : i32
    %mul3A_1 = arith.constant 128 : i32
    %mul3A_2 = arith.muli %add3A, %mul3A_1 : i32
    "tpu.region"() ({
      %run_scoped3A = tpu.sem_alloc : memref<!tpu.dma_semaphore, #tpu.memory_space<semaphore_mem>>
      %dma_start3A = arith.constant 0 : i32
      %dma_start3A_46 = tpu.memref_slice %arg2[%mul3A_2, %dma_start3A] : memref<4096x50xi32, #tpu.memory_space<hbm>> -> memref<128x50xi32, #tpu.memory_space<hbm>>
      %dma_start3A_47 = arith.constant 0 : i32
      %dma_start3A_48 = tpu.memref_slice %arg2[%mul3A_2, %dma_start3A_47] : memref<4096x50xi32, #tpu.memory_space<hbm>> -> memref<128x50xi32, #tpu.memory_space<hbm>>
      tpu.enqueue_dma source(%dma_start3A_48 : memref<128x50xi32, #tpu.memory_space<hbm>>) target(%arg5 : memref<128x50xi32, #tpu.memory_space<vmem>>) target_semaphore(%run_scoped3A : memref<!tpu.dma_semaphore, #tpu.memory_space<semaphore_mem>>)
      %dma_wait3A_49 = arith.constant 0 : i32
      %dma_wait3A_50 = tpu.memref_slice %arg2[%mul3A_2, %dma_wait3A_49] : memref<4096x50xi32, #tpu.memory_space<hbm>> -> memref<128x50xi32, #tpu.memory_space<hbm>>
      %dma_wait3A_51 = arith.constant 0 : i32
      %dma_wait3A_52 = tpu.memref_slice %arg2[%mul3A_2, %dma_wait3A_51] : memref<4096x50xi32, #tpu.memory_space<hbm>> -> memref<128x50xi32, #tpu.memory_space<hbm>>
      tpu.wait_dma2 semaphore(%run_scoped3A : memref<!tpu.dma_semaphore, #tpu.memory_space<semaphore_mem>>) src(%dma_wait3A_52 : memref<128x50xi32, #tpu.memory_space<hbm>>) dst(%arg5 : memref<128x50xi32, #tpu.memory_space<vmem>>)
      tpu.yield
    }) : () -> ()
    %scan3A = arith.constant 0 : i32
    %scan3A_3 = arith.constant 0 : i32
    %scan3A_4 = arith.constant 16 : i32
    %scan3A_5 = arith.addi %scan3A_3, %scan3A_4 : i32
    %scan3A_6 = arith.constant 1 : i32
    %scan3A_7 = scf.for %scan3A_46 = %scan3A_3 to %scan3A_5 step %scan3A_6 iter_args(%scan3A_47 = %scan3A) -> (i32)  : i32 {
      %rem3A = arith.constant 2 : i32
      %rem3A_48 = arith.remsi %scan3A_46, %rem3A : i32
      %eq3A = arith.constant 0 : i32
      %eq3A_49 = arith.cmpi eq, %rem3A_48, %eq3A : i32
      %convert_element_type3A = arith.extui %eq3A_49 : i1 to i32
      %cond3A = arith.constant 0 : i32
      %cond3A_50 = arith.cmpi ne, %convert_element_type3A, %cond3A : i32
      scf.if %cond3A_50 {
        %ge3A = arith.constant 2 : i32
        %ge3A_59 = arith.cmpi sge, %scan3A_46, %ge3A : i32
        %convert_element_type3A_60 = arith.extui %ge3A_59 : i1 to i32
        %cond3A_61 = arith.constant 0 : i32
        %cond3A_62 = arith.cmpi ne, %convert_element_type3A_60, %cond3A_61 : i32
        scf.if %cond3A_62 {
          %sub3A = arith.constant 2 : i32
          %sub3A_338 = arith.subi %scan3A_46, %sub3A : i32
          %mul3A_339 = arith.constant 8 : i32
          %mul3A_340 = arith.muli %sub3A_338, %mul3A_339 : i32
          %add3A_341 = arith.addi %mul3A_2, %mul3A_340 : i32
          %dma_wait3A_342 = arith.constant 0 : i32
          %dma_wait3A_343 = arith.constant 0 : i32
          %dma_wait3A_344 = arith.constant 0 : i32
          %dma_wait3A_345 = arith.constant 0 : i32
          %dma_wait3A_346 = tpu.memref_slice %arg6[%dma_wait3A_342, %dma_wait3A_343, %dma_wait3A_344, %dma_wait3A_345] : memref<2x8x50x128xf32, #tpu.memory_space<vmem>> -> memref<1x8x50x128xf32, #tpu.memory_space<vmem>>
          %dma_wait3A_347 = tpu.memref_squeeze %dma_wait3A_346 : memref<1x8x50x128xf32, #tpu.memory_space<vmem>> -> memref<8x50x128xf32, #tpu.memory_space<vmem>>
          %dma_wait3A_348 = arith.constant 0 : i32
          %dma_wait3A_349 = arith.constant 0 : i32
          %dma_wait3A_350 = tpu.memref_slice %arg4[%add3A_341, %dma_wait3A_348, %dma_wait3A_349] : memref<4096x50x128xf32, #tpu.memory_space<hbm>> -> memref<8x50x128xf32, #tpu.memory_space<hbm>>
          %dma_wait3A_351 = arith.constant 0 : i32
          %dma_wait3A_352 = arith.constant 0 : i32
          %dma_wait3A_353 = tpu.memref_slice %arg4[%add3A_341, %dma_wait3A_351, %dma_wait3A_352] : memref<4096x50x128xf32, #tpu.memory_space<hbm>> -> memref<8x50x128xf32, #tpu.memory_space<hbm>>
          %dma_wait3A_354 = arith.constant 0 : i32
          %dma_wait3A_355 = arith.constant 0 : i32
          %dma_wait3A_356 = arith.constant 0 : i32
          %dma_wait3A_357 = tpu.memref_slice %arg6[%dma_wait3A_342, %dma_wait3A_354, %dma_wait3A_355, %dma_wait3A_356] : memref<2x8x50x128xf32, #tpu.memory_space<vmem>> -> memref<1x8x50x128xf32, #tpu.memory_space<vmem>>
          %dma_wait3A_358 = tpu.memref_squeeze %dma_wait3A_357 : memref<1x8x50x128xf32, #tpu.memory_space<vmem>> -> memref<8x50x128xf32, #tpu.memory_space<vmem>>
          tpu.wait_dma2 semaphore(%arg8 : memref<!tpu.dma_semaphore, #tpu.memory_space<semaphore_mem>>) src(%dma_wait3A_358 : memref<8x50x128xf32, #tpu.memory_space<vmem>>) dst(%dma_wait3A_353 : memref<8x50x128xf32, #tpu.memory_space<hbm>>)
        } else {
        }
        %mul3A_63 = arith.constant 8 : i32
        %mul3A_64 = arith.muli %scan3A_46, %mul3A_63 : i32
        %add3A_65 = arith.constant 0 : i32
        %add3A_66 = arith.addi %mul3A_64, %add3A_65 : i32
        %dma_start3A = arith.constant 0 : i32
        %dma_start3A_67 = arith.constant 0 : i32
        %dma_start3A_68 = arith.constant 0 : i32
        %dma_start3A_69 = arith.constant 0 : i32
        %dma_start3A_70 = tpu.memref_slice %arg6[%dma_start3A, %dma_start3A_67, %dma_start3A_68, %dma_start3A_69] : memref<2x8x50x128xf32, #tpu.memory_space<vmem>> -> memref<1x1x50x128xf32, #tpu.memory_space<vmem>>
        %dma_start3A_71 = tpu.memref_squeeze %dma_start3A_70 : memref<1x1x50x128xf32, #tpu.memory_space<vmem>> -> memref<50x128xf32, #tpu.memory_space<vmem>>
        %dma_start3A_72 = arith.constant 0 : i32
        %dma_start3A_73 = tpu.memref_slice %arg5[%add3A_66, %dma_start3A_72] : memref<128x50xi32, #tpu.memory_space<vmem>> -> memref<1x50xi32, #tpu.memory_space<vmem>>
        %dma_start3A_74 = tpu.memref_squeeze %dma_start3A_73 : memref<1x50xi32, #tpu.memory_space<vmem>> -> memref<50xi32, #tpu.memory_space<vmem>>
        %dma_start3A_75 = arith.constant 0 : i32
        %dma_start3A_76 = arith.constant 0 : i32
        %dma_start3A_77 = tpu.memref_slice %arg3[%dma_start3A_75, %dma_start3A_76] : memref<1015808x128xf32, #tpu.memory_space<hbm>> -> memref<1015808x128xf32, #tpu.memory_space<hbm>>
        tpu.enqueue_indirect_dma source(%dma_start3A_77 : memref<1015808x128xf32, #tpu.memory_space<hbm>>) target(%dma_start3A_71 : memref<50x128xf32, #tpu.memory_space<vmem>>) offsets(%dma_start3A_74 : memref<50xi32, #tpu.memory_space<vmem>>) semaphore(%arg7 : memref<!tpu.dma_semaphore, #tpu.memory_space<semaphore_mem>>)
        %mul3A_78 = arith.constant 8 : i32
        %mul3A_79 = arith.muli %scan3A_46, %mul3A_78 : i32
        %add3A_80 = arith.constant 1 : i32
        %add3A_81 = arith.addi %mul3A_79, %add3A_80 : i32
        %dma_start3A_82 = arith.constant 0 : i32
        %dma_start3A_83 = arith.constant 1 : i32
        %dma_start3A_84 = arith.constant 0 : i32
        %dma_start3A_85 = arith.constant 0 : i32
        %dma_start3A_86 = tpu.memref_slice %arg6[%dma_start3A_82, %dma_start3A_83, %dma_start3A_84, %dma_start3A_85] : memref<2x8x50x128xf32, #tpu.memory_space<vmem>> -> memref<1x1x50x128xf32, #tpu.memory_space<vmem>>
        %dma_start3A_87 = tpu.memref_squeeze %dma_start3A_86 : memref<1x1x50x128xf32, #tpu.memory_space<vmem>> -> memref<50x128xf32, #tpu.memory_space<vmem>>
        %dma_start3A_88 = arith.constant 0 : i32
        %dma_start3A_89 = tpu.memref_slice %arg5[%add3A_81, %dma_start3A_88] : memref<128x50xi32, #tpu.memory_space<vmem>> -> memref<1x50xi32, #tpu.memory_space<vmem>>
        %dma_start3A_90 = tpu.memref_squeeze %dma_start3A_89 : memref<1x50xi32, #tpu.memory_space<vmem>> -> memref<50xi32, #tpu.memory_space<vmem>>
        %dma_start3A_91 = arith.constant 0 : i32
        %dma_start3A_92 = arith.constant 0 : i32
        %dma_start3A_93 = tpu.memref_slice %arg3[%dma_start3A_91, %dma_start3A_92] : memref<1015808x128xf32, #tpu.memory_space<hbm>> -> memref<1015808x128xf32, #tpu.memory_space<hbm>>
        tpu.enqueue_indirect_dma source(%dma_start3A_93 : memref<1015808x128xf32, #tpu.memory_space<hbm>>) target(%dma_start3A_87 : memref<50x128xf32, #tpu.memory_space<vmem>>) offsets(%dma_start3A_90 : memref<50xi32, #tpu.memory_space<vmem>>) semaphore(%arg7 : memref<!tpu.dma_semaphore, #tpu.memory_space<semaphore_mem>>)
        %mul3A_94 = arith.constant 8 : i32
        %mul3A_95 = arith.muli %scan3A_46, %mul3A_94 : i32
        %add3A_96 = arith.constant 2 : i32
        %add3A_97 = arith.addi %mul3A_95, %add3A_96 : i32
        %dma_start3A_98 = arith.constant 0 : i32
        %dma_start3A_99 = arith.constant 2 : i32
        %dma_start3A_100 = arith.constant 0 : i32
        %dma_start3A_101 = arith.constant 0 : i32
        %dma_start3A_102 = tpu.memref_slice %arg6[%dma_start3A_98, %dma_start3A_99, %dma_start3A_100, %dma_start3A_101] : memref<2x8x50x128xf32, #tpu.memory_space<vmem>> -> memref<1x1x50x128xf32, #tpu.memory_space<vmem>>
        %dma_start3A_103 = tpu.memref_squeeze %dma_start3A_102 : memref<1x1x50x128xf32, #tpu.memory_space<vmem>> -> memref<50x128xf32, #tpu.memory_space<vmem>>
        %dma_start3A_104 = arith.constant 0 : i32
        %dma_start3A_105 = tpu.memref_slice %arg5[%add3A_97, %dma_start3A_104] : memref<128x50xi32, #tpu.memory_space<vmem>> -> memref<1x50xi32, #tpu.memory_space<vmem>>
        %dma_start3A_106 = tpu.memref_squeeze %dma_start3A_105 : memref<1x50xi32, #tpu.memory_space<vmem>> -> memref<50xi32, #tpu.memory_space<vmem>>
        %dma_start3A_107 = arith.constant 0 : i32
        %dma_start3A_108 = arith.constant 0 : i32
        %dma_start3A_109 = tpu.memref_slice %arg3[%dma_start3A_107, %dma_start3A_108] : memref<1015808x128xf32, #tpu.memory_space<hbm>> -> memref<1015808x128xf32, #tpu.memory_space<hbm>>
        tpu.enqueue_indirect_dma source(%dma_start3A_109 : memref<1015808x128xf32, #tpu.memory_space<hbm>>) target(%dma_start3A_103 : memref<50x128xf32, #tpu.memory_space<vmem>>) offsets(%dma_start3A_106 : memref<50xi32, #tpu.memory_space<vmem>>) semaphore(%arg7 : memref<!tpu.dma_semaphore, #tpu.memory_space<semaphore_mem>>)
        %mul3A_110 = arith.constant 8 : i32
        %mul3A_111 = arith.muli %scan3A_46, %mul3A_110 : i32
        %add3A_112 = arith.constant 3 : i32
        %add3A_113 = arith.addi %mul3A_111, %add3A_112 : i32
        %dma_start3A_114 = arith.constant 0 : i32
        %dma_start3A_115 = arith.constant 3 : i32
        %dma_start3A_116 = arith.constant 0 : i32
        %dma_start3A_117 = arith.constant 0 : i32
        %dma_start3A_118 = tpu.memref_slice %arg6[%dma_start3A_114, %dma_start3A_115, %dma_start3A_116, %dma_start3A_117] : memref<2x8x50x128xf32, #tpu.memory_space<vmem>> -> memref<1x1x50x128xf32, #tpu.memory_space<vmem>>
        %dma_start3A_119 = tpu.memref_squeeze %dma_start3A_118 : memref<1x1x50x128xf32, #tpu.memory_space<vmem>> -> memref<50x128xf32, #tpu.memory_space<vmem>>
        %dma_start3A_120 = arith.constant 0 : i32
        %dma_start3A_121 = tpu.memref_slice %arg5[%add3A_113, %dma_start3A_120] : memref<128x50xi32, #tpu.memory_space<vmem>> -> memref<1x50xi32, #tpu.memory_space<vmem>>
        %dma_start3A_122 = tpu.memref_squeeze %dma_start3A_121 : memref<1x50xi32, #tpu.memory_space<vmem>> -> memref<50xi32, #tpu.memory_space<vmem>>
        %dma_start3A_123 = arith.constant 0 : i32
        %dma_start3A_124 = arith.constant 0 : i32
        %dma_start3A_125 = tpu.memref_slice %arg3[%dma_start3A_123, %dma_start3A_124] : memref<1015808x128xf32, #tpu.memory_space<hbm>> -> memref<1015808x128xf32, #tpu.memory_space<hbm>>
        tpu.enqueue_indirect_dma source(%dma_start3A_125 : memref<1015808x128xf32, #tpu.memory_space<hbm>>) target(%dma_start3A_119 : memref<50x128xf32, #tpu.memory_space<vmem>>) offsets(%dma_start3A_122 : memref<50xi32, #tpu.memory_space<vmem>>) semaphore(%arg7 : memref<!tpu.dma_semaphore, #tpu.memory_space<semaphore_mem>>)
        %mul3A_126 = arith.constant 8 : i32
        %mul3A_127 = arith.muli %scan3A_46, %mul3A_126 : i32
        %add3A_128 = arith.constant 4 : i32
        %add3A_129 = arith.addi %mul3A_127, %add3A_128 : i32
        %dma_start3A_130 = arith.constant 0 : i32
        %dma_start3A_131 = arith.constant 4 : i32
        %dma_start3A_132 = arith.constant 0 : i32
        %dma_start3A_133 = arith.constant 0 : i32
        %dma_start3A_134 = tpu.memref_slice %arg6[%dma_start3A_130, %dma_start3A_131, %dma_start3A_132, %dma_start3A_133] : memref<2x8x50x128xf32, #tpu.memory_space<vmem>> -> memref<1x1x50x128xf32, #tpu.memory_space<vmem>>
        %dma_start3A_135 = tpu.memref_squeeze %dma_start3A_134 : memref<1x1x50x128xf32, #tpu.memory_space<vmem>> -> memref<50x128xf32, #tpu.memory_space<vmem>>
        %dma_start3A_136 = arith.constant 0 : i32
        %dma_start3A_137 = tpu.memref_slice %arg5[%add3A_129, %dma_start3A_136] : memref<128x50xi32, #tpu.memory_space<vmem>> -> memref<1x50xi32, #tpu.memory_space<vmem>>
        %dma_start3A_138 = tpu.memref_squeeze %dma_start3A_137 : memref<1x50xi32, #tpu.memory_space<vmem>> -> memref<50xi32, #tpu.memory_space<vmem>>
        %dma_start3A_139 = arith.constant 0 : i32
        %dma_start3A_140 = arith.constant 0 : i32
        %dma_start3A_141 = tpu.memref_slice %arg3[%dma_start3A_139, %dma_start3A_140] : memref<1015808x128xf32, #tpu.memory_space<hbm>> -> memref<1015808x128xf32, #tpu.memory_space<hbm>>
        tpu.enqueue_indirect_dma source(%dma_start3A_141 : memref<1015808x128xf32, #tpu.memory_space<hbm>>) target(%dma_start3A_135 : memref<50x128xf32, #tpu.memory_space<vmem>>) offsets(%dma_start3A_138 : memref<50xi32, #tpu.memory_space<vmem>>) semaphore(%arg7 : memref<!tpu.dma_semaphore, #tpu.memory_space<semaphore_mem>>)
        %mul3A_142 = arith.constant 8 : i32
        %mul3A_143 = arith.muli %scan3A_46, %mul3A_142 : i32
        %add3A_144 = arith.constant 5 : i32
        %add3A_145 = arith.addi %mul3A_143, %add3A_144 : i32
        %dma_start3A_146 = arith.constant 0 : i32
        %dma_start3A_147 = arith.constant 5 : i32
        %dma_start3A_148 = arith.constant 0 : i32
        %dma_start3A_149 = arith.constant 0 : i32
        %dma_start3A_150 = tpu.memref_slice %arg6[%dma_start3A_146, %dma_start3A_147, %dma_start3A_148, %dma_start3A_149] : memref<2x8x50x128xf32, #tpu.memory_space<vmem>> -> memref<1x1x50x128xf32, #tpu.memory_space<vmem>>
        %dma_start3A_151 = tpu.memref_squeeze %dma_start3A_150 : memref<1x1x50x128xf32, #tpu.memory_space<vmem>> -> memref<50x128xf32, #tpu.memory_space<vmem>>
        %dma_start3A_152 = arith.constant 0 : i32
        %dma_start3A_153 = tpu.memref_slice %arg5[%add3A_145, %dma_start3A_152] : memref<128x50xi32, #tpu.memory_space<vmem>> -> memref<1x50xi32, #tpu.memory_space<vmem>>
        %dma_start3A_154 = tpu.memref_squeeze %dma_start3A_153 : memref<1x50xi32, #tpu.memory_space<vmem>> -> memref<50xi32, #tpu.memory_space<vmem>>
        %dma_start3A_155 = arith.constant 0 : i32
        %dma_start3A_156 = arith.constant 0 : i32
        %dma_start3A_157 = tpu.memref_slice %arg3[%dma_start3A_155, %dma_start3A_156] : memref<1015808x128xf32, #tpu.memory_space<hbm>> -> memref<1015808x128xf32, #tpu.memory_space<hbm>>
        tpu.enqueue_indirect_dma source(%dma_start3A_157 : memref<1015808x128xf32, #tpu.memory_space<hbm>>) target(%dma_start3A_151 : memref<50x128xf32, #tpu.memory_space<vmem>>) offsets(%dma_start3A_154 : memref<50xi32, #tpu.memory_space<vmem>>) semaphore(%arg7 : memref<!tpu.dma_semaphore, #tpu.memory_space<semaphore_mem>>)
        %mul3A_158 = arith.constant 8 : i32
        %mul3A_159 = arith.muli %scan3A_46, %mul3A_158 : i32
        %add3A_160 = arith.constant 6 : i32
        %add3A_161 = arith.addi %mul3A_159, %add3A_160 : i32
        %dma_start3A_162 = arith.constant 0 : i32
        %dma_start3A_163 = arith.constant 6 : i32
        %dma_start3A_164 = arith.constant 0 : i32
        %dma_start3A_165 = arith.constant 0 : i32
        %dma_start3A_166 = tpu.memref_slice %arg6[%dma_start3A_162, %dma_start3A_163, %dma_start3A_164, %dma_start3A_165] : memref<2x8x50x128xf32, #tpu.memory_space<vmem>> -> memref<1x1x50x128xf32, #tpu.memory_space<vmem>>
        %dma_start3A_167 = tpu.memref_squeeze %dma_start3A_166 : memref<1x1x50x128xf32, #tpu.memory_space<vmem>> -> memref<50x128xf32, #tpu.memory_space<vmem>>
        %dma_start3A_168 = arith.constant 0 : i32
        %dma_start3A_169 = tpu.memref_slice %arg5[%add3A_161, %dma_start3A_168] : memref<128x50xi32, #tpu.memory_space<vmem>> -> memref<1x50xi32, #tpu.memory_space<vmem>>
        %dma_start3A_170 = tpu.memref_squeeze %dma_start3A_169 : memref<1x50xi32, #tpu.memory_space<vmem>> -> memref<50xi32, #tpu.memory_space<vmem>>
        %dma_start3A_171 = arith.constant 0 : i32
        %dma_start3A_172 = arith.constant 0 : i32
        %dma_start3A_173 = tpu.memref_slice %arg3[%dma_start3A_171, %dma_start3A_172] : memref<1015808x128xf32, #tpu.memory_space<hbm>> -> memref<1015808x128xf32, #tpu.memory_space<hbm>>
        tpu.enqueue_indirect_dma source(%dma_start3A_173 : memref<1015808x128xf32, #tpu.memory_space<hbm>>) target(%dma_start3A_167 : memref<50x128xf32, #tpu.memory_space<vmem>>) offsets(%dma_start3A_170 : memref<50xi32, #tpu.memory_space<vmem>>) semaphore(%arg7 : memref<!tpu.dma_semaphore, #tpu.memory_space<semaphore_mem>>)
        %mul3A_174 = arith.constant 8 : i32
        %mul3A_175 = arith.muli %scan3A_46, %mul3A_174 : i32
        %add3A_176 = arith.constant 7 : i32
        %add3A_177 = arith.addi %mul3A_175, %add3A_176 : i32
        %dma_start3A_178 = arith.constant 0 : i32
        %dma_start3A_179 = arith.constant 7 : i32
        %dma_start3A_180 = arith.constant 0 : i32
        %dma_start3A_181 = arith.constant 0 : i32
        %dma_start3A_182 = tpu.memref_slice %arg6[%dma_start3A_178, %dma_start3A_179, %dma_start3A_180, %dma_start3A_181] : memref<2x8x50x128xf32, #tpu.memory_space<vmem>> -> memref<1x1x50x128xf32, #tpu.memory_space<vmem>>
        %dma_start3A_183 = tpu.memref_squeeze %dma_start3A_182 : memref<1x1x50x128xf32, #tpu.memory_space<vmem>> -> memref<50x128xf32, #tpu.memory_space<vmem>>
        %dma_start3A_184 = arith.constant 0 : i32
        %dma_start3A_185 = tpu.memref_slice %arg5[%add3A_177, %dma_start3A_184] : memref<128x50xi32, #tpu.memory_space<vmem>> -> memref<1x50xi32, #tpu.memory_space<vmem>>
        %dma_start3A_186 = tpu.memref_squeeze %dma_start3A_185 : memref<1x50xi32, #tpu.memory_space<vmem>> -> memref<50xi32, #tpu.memory_space<vmem>>
        %dma_start3A_187 = arith.constant 0 : i32
        %dma_start3A_188 = arith.constant 0 : i32
        %dma_start3A_189 = tpu.memref_slice %arg3[%dma_start3A_187, %dma_start3A_188] : memref<1015808x128xf32, #tpu.memory_space<hbm>> -> memref<1015808x128xf32, #tpu.memory_space<hbm>>
        tpu.enqueue_indirect_dma source(%dma_start3A_189 : memref<1015808x128xf32, #tpu.memory_space<hbm>>) target(%dma_start3A_183 : memref<50x128xf32, #tpu.memory_space<vmem>>) offsets(%dma_start3A_186 : memref<50xi32, #tpu.memory_space<vmem>>) semaphore(%arg7 : memref<!tpu.dma_semaphore, #tpu.memory_space<semaphore_mem>>)
        %mul3A_190 = arith.constant 8 : i32
        %mul3A_191 = arith.muli %scan3A_46, %mul3A_190 : i32
        %add3A_192 = arith.constant 0 : i32
        %add3A_193 = arith.addi %mul3A_191, %add3A_192 : i32
        %dma_wait3A_194 = arith.constant 0 : i32
        %dma_wait3A_195 = arith.constant 0 : i32
        %dma_wait3A_196 = arith.constant 0 : i32
        %dma_wait3A_197 = arith.constant 0 : i32
        %dma_wait3A_198 = tpu.memref_slice %arg6[%dma_wait3A_194, %dma_wait3A_195, %dma_wait3A_196, %dma_wait3A_197] : memref<2x8x50x128xf32, #tpu.memory_space<vmem>> -> memref<1x1x50x128xf32, #tpu.memory_space<vmem>>
        %dma_wait3A_199 = tpu.memref_squeeze %dma_wait3A_198 : memref<1x1x50x128xf32, #tpu.memory_space<vmem>> -> memref<50x128xf32, #tpu.memory_space<vmem>>
        %dma_wait3A_200 = arith.constant 0 : i32
        %dma_wait3A_201 = tpu.memref_slice %arg5[%add3A_193, %dma_wait3A_200] : memref<128x50xi32, #tpu.memory_space<vmem>> -> memref<1x50xi32, #tpu.memory_space<vmem>>
        %dma_wait3A_202 = tpu.memref_squeeze %dma_wait3A_201 : memref<1x50xi32, #tpu.memory_space<vmem>> -> memref<50xi32, #tpu.memory_space<vmem>>
        %dma_wait3A_203 = arith.constant 0 : i32
        %dma_wait3A_204 = arith.constant 0 : i32
        %dma_wait3A_205 = tpu.memref_slice %arg3[%dma_wait3A_203, %dma_wait3A_204] : memref<1015808x128xf32, #tpu.memory_space<hbm>> -> memref<1015808x128xf32, #tpu.memory_space<hbm>>
        tpu.wait_indirect_dma semaphore(%arg7 : memref<!tpu.dma_semaphore, #tpu.memory_space<semaphore_mem>>) src(%dma_wait3A_205 : memref<1015808x128xf32, #tpu.memory_space<hbm>>) dst(%dma_wait3A_199 : memref<50x128xf32, #tpu.memory_space<vmem>>)
        %mul3A_206 = arith.constant 8 : i32
        %mul3A_207 = arith.muli %scan3A_46, %mul3A_206 : i32
        %add3A_208 = arith.constant 1 : i32
        %add3A_209 = arith.addi %mul3A_207, %add3A_208 : i32
        %dma_wait3A_210 = arith.constant 0 : i32
        %dma_wait3A_211 = arith.constant 1 : i32
        %dma_wait3A_212 = arith.constant 0 : i32
        %dma_wait3A_213 = arith.constant 0 : i32
        %dma_wait3A_214 = tpu.memref_slice %arg6[%dma_wait3A_210, %dma_wait3A_211, %dma_wait3A_212, %dma_wait3A_213] : memref<2x8x50x128xf32, #tpu.memory_space<vmem>> -> memref<1x1x50x128xf32, #tpu.memory_space<vmem>>
        %dma_wait3A_215 = tpu.memref_squeeze %dma_wait3A_214 : memref<1x1x50x128xf32, #tpu.memory_space<vmem>> -> memref<50x128xf32, #tpu.memory_space<vmem>>
        %dma_wait3A_216 = arith.constant 0 : i32
        %dma_wait3A_217 = tpu.memref_slice %arg5[%add3A_209, %dma_wait3A_216] : memref<128x50xi32, #tpu.memory_space<vmem>> -> memref<1x50xi32, #tpu.memory_space<vmem>>
        %dma_wait3A_218 = tpu.memref_squeeze %dma_wait3A_217 : memref<1x50xi32, #tpu.memory_space<vmem>> -> memref<50xi32, #tpu.memory_space<vmem>>
        %dma_wait3A_219 = arith.constant 0 : i32
        %dma_wait3A_220 = arith.constant 0 : i32
        %dma_wait3A_221 = tpu.memref_slice %arg3[%dma_wait3A_219, %dma_wait3A_220] : memref<1015808x128xf32, #tpu.memory_space<hbm>> -> memref<1015808x128xf32, #tpu.memory_space<hbm>>
        tpu.wait_indirect_dma semaphore(%arg7 : memref<!tpu.dma_semaphore, #tpu.memory_space<semaphore_mem>>) src(%dma_wait3A_221 : memref<1015808x128xf32, #tpu.memory_space<hbm>>) dst(%dma_wait3A_215 : memref<50x128xf32, #tpu.memory_space<vmem>>)
        %mul3A_222 = arith.constant 8 : i32
        %mul3A_223 = arith.muli %scan3A_46, %mul3A_222 : i32
        %add3A_224 = arith.constant 2 : i32
        %add3A_225 = arith.addi %mul3A_223, %add3A_224 : i32
        %dma_wait3A_226 = arith.constant 0 : i32
        %dma_wait3A_227 = arith.constant 2 : i32
        %dma_wait3A_228 = arith.constant 0 : i32
        %dma_wait3A_229 = arith.constant 0 : i32
        %dma_wait3A_230 = tpu.memref_slice %arg6[%dma_wait3A_226, %dma_wait3A_227, %dma_wait3A_228, %dma_wait3A_229] : memref<2x8x50x128xf32, #tpu.memory_space<vmem>> -> memref<1x1x50x128xf32, #tpu.memory_space<vmem>>
        %dma_wait3A_231 = tpu.memref_squeeze %dma_wait3A_230 : memref<1x1x50x128xf32, #tpu.memory_space<vmem>> -> memref<50x128xf32, #tpu.memory_space<vmem>>
        %dma_wait3A_232 = arith.constant 0 : i32
        %dma_wait3A_233 = tpu.memref_slice %arg5[%add3A_225, %dma_wait3A_232] : memref<128x50xi32, #tpu.memory_space<vmem>> -> memref<1x50xi32, #tpu.memory_space<vmem>>
        %dma_wait3A_234 = tpu.memref_squeeze %dma_wait3A_233 : memref<1x50xi32, #tpu.memory_space<vmem>> -> memref<50xi32, #tpu.memory_space<vmem>>
        %dma_wait3A_235 = arith.constant 0 : i32
        %dma_wait3A_236 = arith.constant 0 : i32
        %dma_wait3A_237 = tpu.memref_slice %arg3[%dma_wait3A_235, %dma_wait3A_236] : memref<1015808x128xf32, #tpu.memory_space<hbm>> -> memref<1015808x128xf32, #tpu.memory_space<hbm>>
        tpu.wait_indirect_dma semaphore(%arg7 : memref<!tpu.dma_semaphore, #tpu.memory_space<semaphore_mem>>) src(%dma_wait3A_237 : memref<1015808x128xf32, #tpu.memory_space<hbm>>) dst(%dma_wait3A_231 : memref<50x128xf32, #tpu.memory_space<vmem>>)
        %mul3A_238 = arith.constant 8 : i32
        %mul3A_239 = arith.muli %scan3A_46, %mul3A_238 : i32
        %add3A_240 = arith.constant 3 : i32
        %add3A_241 = arith.addi %mul3A_239, %add3A_240 : i32
        %dma_wait3A_242 = arith.constant 0 : i32
        %dma_wait3A_243 = arith.constant 3 : i32
        %dma_wait3A_244 = arith.constant 0 : i32
        %dma_wait3A_245 = arith.constant 0 : i32
        %dma_wait3A_246 = tpu.memref_slice %arg6[%dma_wait3A_242, %dma_wait3A_243, %dma_wait3A_244, %dma_wait3A_245] : memref<2x8x50x128xf32, #tpu.memory_space<vmem>> -> memref<1x1x50x128xf32, #tpu.memory_space<vmem>>
        %dma_wait3A_247 = tpu.memref_squeeze %dma_wait3A_246 : memref<1x1x50x128xf32, #tpu.memory_space<vmem>> -> memref<50x128xf32, #tpu.memory_space<vmem>>
        %dma_wait3A_248 = arith.constant 0 : i32
        %dma_wait3A_249 = tpu.memref_slice %arg5[%add3A_241, %dma_wait3A_248] : memref<128x50xi32, #tpu.memory_space<vmem>> -> memref<1x50xi32, #tpu.memory_space<vmem>>
        %dma_wait3A_250 = tpu.memref_squeeze %dma_wait3A_249 : memref<1x50xi32, #tpu.memory_space<vmem>> -> memref<50xi32, #tpu.memory_space<vmem>>
        %dma_wait3A_251 = arith.constant 0 : i32
        %dma_wait3A_252 = arith.constant 0 : i32
        %dma_wait3A_253 = tpu.memref_slice %arg3[%dma_wait3A_251, %dma_wait3A_252] : memref<1015808x128xf32, #tpu.memory_space<hbm>> -> memref<1015808x128xf32, #tpu.memory_space<hbm>>
        tpu.wait_indirect_dma semaphore(%arg7 : memref<!tpu.dma_semaphore, #tpu.memory_space<semaphore_mem>>) src(%dma_wait3A_253 : memref<1015808x128xf32, #tpu.memory_space<hbm>>) dst(%dma_wait3A_247 : memref<50x128xf32, #tpu.memory_space<vmem>>)
        %mul3A_254 = arith.constant 8 : i32
        %mul3A_255 = arith.muli %scan3A_46, %mul3A_254 : i32
        %add3A_256 = arith.constant 4 : i32
        %add3A_257 = arith.addi %mul3A_255, %add3A_256 : i32
        %dma_wait3A_258 = arith.constant 0 : i32
        %dma_wait3A_259 = arith.constant 4 : i32
        %dma_wait3A_260 = arith.constant 0 : i32
        %dma_wait3A_261 = arith.constant 0 : i32
        %dma_wait3A_262 = tpu.memref_slice %arg6[%dma_wait3A_258, %dma_wait3A_259, %dma_wait3A_260, %dma_wait3A_261] : memref<2x8x50x128xf32, #tpu.memory_space<vmem>> -> memref<1x1x50x128xf32, #tpu.memory_space<vmem>>
        %dma_wait3A_263 = tpu.memref_squeeze %dma_wait3A_262 : memref<1x1x50x128xf32, #tpu.memory_space<vmem>> -> memref<50x128xf32, #tpu.memory_space<vmem>>
        %dma_wait3A_264 = arith.constant 0 : i32
        %dma_wait3A_265 = tpu.memref_slice %arg5[%add3A_257, %dma_wait3A_264] : memref<128x50xi32, #tpu.memory_space<vmem>> -> memref<1x50xi32, #tpu.memory_space<vmem>>
        %dma_wait3A_266 = tpu.memref_squeeze %dma_wait3A_265 : memref<1x50xi32, #tpu.memory_space<vmem>> -> memref<50xi32, #tpu.memory_space<vmem>>
        %dma_wait3A_267 = arith.constant 0 : i32
        %dma_wait3A_268 = arith.constant 0 : i32
        %dma_wait3A_269 = tpu.memref_slice %arg3[%dma_wait3A_267, %dma_wait3A_268] : memref<1015808x128xf32, #tpu.memory_space<hbm>> -> memref<1015808x128xf32, #tpu.memory_space<hbm>>
        tpu.wait_indirect_dma semaphore(%arg7 : memref<!tpu.dma_semaphore, #tpu.memory_space<semaphore_mem>>) src(%dma_wait3A_269 : memref<1015808x128xf32, #tpu.memory_space<hbm>>) dst(%dma_wait3A_263 : memref<50x128xf32, #tpu.memory_space<vmem>>)
        %mul3A_270 = arith.constant 8 : i32
        %mul3A_271 = arith.muli %scan3A_46, %mul3A_270 : i32
        %add3A_272 = arith.constant 5 : i32
        %add3A_273 = arith.addi %mul3A_271, %add3A_272 : i32
        %dma_wait3A_274 = arith.constant 0 : i32
        %dma_wait3A_275 = arith.constant 5 : i32
        %dma_wait3A_276 = arith.constant 0 : i32
        %dma_wait3A_277 = arith.constant 0 : i32
        %dma_wait3A_278 = tpu.memref_slice %arg6[%dma_wait3A_274, %dma_wait3A_275, %dma_wait3A_276, %dma_wait3A_277] : memref<2x8x50x128xf32, #tpu.memory_space<vmem>> -> memref<1x1x50x128xf32, #tpu.memory_space<vmem>>
        %dma_wait3A_279 = tpu.memref_squeeze %dma_wait3A_278 : memref<1x1x50x128xf32, #tpu.memory_space<vmem>> -> memref<50x128xf32, #tpu.memory_space<vmem>>
        %dma_wait3A_280 = arith.constant 0 : i32
        %dma_wait3A_281 = tpu.memref_slice %arg5[%add3A_273, %dma_wait3A_280] : memref<128x50xi32, #tpu.memory_space<vmem>> -> memref<1x50xi32, #tpu.memory_space<vmem>>
        %dma_wait3A_282 = tpu.memref_squeeze %dma_wait3A_281 : memref<1x50xi32, #tpu.memory_space<vmem>> -> memref<50xi32, #tpu.memory_space<vmem>>
        %dma_wait3A_283 = arith.constant 0 : i32
        %dma_wait3A_284 = arith.constant 0 : i32
        %dma_wait3A_285 = tpu.memref_slice %arg3[%dma_wait3A_283, %dma_wait3A_284] : memref<1015808x128xf32, #tpu.memory_space<hbm>> -> memref<1015808x128xf32, #tpu.memory_space<hbm>>
        tpu.wait_indirect_dma semaphore(%arg7 : memref<!tpu.dma_semaphore, #tpu.memory_space<semaphore_mem>>) src(%dma_wait3A_285 : memref<1015808x128xf32, #tpu.memory_space<hbm>>) dst(%dma_wait3A_279 : memref<50x128xf32, #tpu.memory_space<vmem>>)
        %mul3A_286 = arith.constant 8 : i32
        %mul3A_287 = arith.muli %scan3A_46, %mul3A_286 : i32
        %add3A_288 = arith.constant 6 : i32
        %add3A_289 = arith.addi %mul3A_287, %add3A_288 : i32
        %dma_wait3A_290 = arith.constant 0 : i32
        %dma_wait3A_291 = arith.constant 6 : i32
        %dma_wait3A_292 = arith.constant 0 : i32
        %dma_wait3A_293 = arith.constant 0 : i32
        %dma_wait3A_294 = tpu.memref_slice %arg6[%dma_wait3A_290, %dma_wait3A_291, %dma_wait3A_292, %dma_wait3A_293] : memref<2x8x50x128xf32, #tpu.memory_space<vmem>> -> memref<1x1x50x128xf32, #tpu.memory_space<vmem>>
        %dma_wait3A_295 = tpu.memref_squeeze %dma_wait3A_294 : memref<1x1x50x128xf32, #tpu.memory_space<vmem>> -> memref<50x128xf32, #tpu.memory_space<vmem>>
        %dma_wait3A_296 = arith.constant 0 : i32
        %dma_wait3A_297 = tpu.memref_slice %arg5[%add3A_289, %dma_wait3A_296] : memref<128x50xi32, #tpu.memory_space<vmem>> -> memref<1x50xi32, #tpu.memory_space<vmem>>
        %dma_wait3A_298 = tpu.memref_squeeze %dma_wait3A_297 : memref<1x50xi32, #tpu.memory_space<vmem>> -> memref<50xi32, #tpu.memory_space<vmem>>
        %dma_wait3A_299 = arith.constant 0 : i32
        %dma_wait3A_300 = arith.constant 0 : i32
        %dma_wait3A_301 = tpu.memref_slice %arg3[%dma_wait3A_299, %dma_wait3A_300] : memref<1015808x128xf32, #tpu.memory_space<hbm>> -> memref<1015808x128xf32, #tpu.memory_space<hbm>>
        tpu.wait_indirect_dma semaphore(%arg7 : memref<!tpu.dma_semaphore, #tpu.memory_space<semaphore_mem>>) src(%dma_wait3A_301 : memref<1015808x128xf32, #tpu.memory_space<hbm>>) dst(%dma_wait3A_295 : memref<50x128xf32, #tpu.memory_space<vmem>>)
        %mul3A_302 = arith.constant 8 : i32
        %mul3A_303 = arith.muli %scan3A_46, %mul3A_302 : i32
        %add3A_304 = arith.constant 7 : i32
        %add3A_305 = arith.addi %mul3A_303, %add3A_304 : i32
        %dma_wait3A_306 = arith.constant 0 : i32
        %dma_wait3A_307 = arith.constant 7 : i32
        %dma_wait3A_308 = arith.constant 0 : i32
        %dma_wait3A_309 = arith.constant 0 : i32
        %dma_wait3A_310 = tpu.memref_slice %arg6[%dma_wait3A_306, %dma_wait3A_307, %dma_wait3A_308, %dma_wait3A_309] : memref<2x8x50x128xf32, #tpu.memory_space<vmem>> -> memref<1x1x50x128xf32, #tpu.memory_space<vmem>>
        %dma_wait3A_311 = tpu.memref_squeeze %dma_wait3A_310 : memref<1x1x50x128xf32, #tpu.memory_space<vmem>> -> memref<50x128xf32, #tpu.memory_space<vmem>>
        %dma_wait3A_312 = arith.constant 0 : i32
        %dma_wait3A_313 = tpu.memref_slice %arg5[%add3A_305, %dma_wait3A_312] : memref<128x50xi32, #tpu.memory_space<vmem>> -> memref<1x50xi32, #tpu.memory_space<vmem>>
        %dma_wait3A_314 = tpu.memref_squeeze %dma_wait3A_313 : memref<1x50xi32, #tpu.memory_space<vmem>> -> memref<50xi32, #tpu.memory_space<vmem>>
        %dma_wait3A_315 = arith.constant 0 : i32
        %dma_wait3A_316 = arith.constant 0 : i32
        %dma_wait3A_317 = tpu.memref_slice %arg3[%dma_wait3A_315, %dma_wait3A_316] : memref<1015808x128xf32, #tpu.memory_space<hbm>> -> memref<1015808x128xf32, #tpu.memory_space<hbm>>
        tpu.wait_indirect_dma semaphore(%arg7 : memref<!tpu.dma_semaphore, #tpu.memory_space<semaphore_mem>>) src(%dma_wait3A_317 : memref<1015808x128xf32, #tpu.memory_space<hbm>>) dst(%dma_wait3A_311 : memref<50x128xf32, #tpu.memory_space<vmem>>)
        %mul3A_318 = arith.constant 8 : i32
        %mul3A_319 = arith.muli %scan3A_46, %mul3A_318 : i32
        %add3A_320 = arith.addi %mul3A_2, %mul3A_319 : i32
        %dma_start3A_321 = arith.constant 0 : i32
        %dma_start3A_322 = arith.constant 0 : i32
        %dma_start3A_323 = arith.constant 0 : i32
        %dma_start3A_324 = arith.constant 0 : i32
        %dma_start3A_325 = tpu.memref_slice %arg6[%dma_start3A_321, %dma_start3A_322, %dma_start3A_323, %dma_start3A_324] : memref<2x8x50x128xf32, #tpu.memory_space<vmem>> -> memref<1x8x50x128xf32, #tpu.memory_space<vmem>>
        %dma_start3A_326 = tpu.memref_squeeze %dma_start3A_325 : memref<1x8x50x128xf32, #tpu.memory_space<vmem>> -> memref<8x50x128xf32, #tpu.memory_space<vmem>>
        %dma_start3A_327 = arith.constant 0 : i32
        %dma_start3A_328 = arith.constant 0 : i32
        %dma_start3A_329 = tpu.memref_slice %arg4[%add3A_320, %dma_start3A_327, %dma_start3A_328] : memref<4096x50x128xf32, #tpu.memory_space<hbm>> -> memref<8x50x128xf32, #tpu.memory_space<hbm>>
        %dma_start3A_330 = arith.constant 0 : i32
        %dma_start3A_331 = arith.constant 0 : i32
        %dma_start3A_332 = tpu.memref_slice %arg4[%add3A_320, %dma_start3A_330, %dma_start3A_331] : memref<4096x50x128xf32, #tpu.memory_space<hbm>> -> memref<8x50x128xf32, #tpu.memory_space<hbm>>
        %dma_start3A_333 = arith.constant 0 : i32
        %dma_start3A_334 = arith.constant 0 : i32
        %dma_start3A_335 = arith.constant 0 : i32
        %dma_start3A_336 = tpu.memref_slice %arg6[%dma_start3A_321, %dma_start3A_333, %dma_start3A_334, %dma_start3A_335] : memref<2x8x50x128xf32, #tpu.memory_space<vmem>> -> memref<1x8x50x128xf32, #tpu.memory_space<vmem>>
        %dma_start3A_337 = tpu.memref_squeeze %dma_start3A_336 : memref<1x8x50x128xf32, #tpu.memory_space<vmem>> -> memref<8x50x128xf32, #tpu.memory_space<vmem>>
        tpu.enqueue_dma source(%dma_start3A_337 : memref<8x50x128xf32, #tpu.memory_space<vmem>>) target(%dma_start3A_332 : memref<8x50x128xf32, #tpu.memory_space<hbm>>) target_semaphore(%arg8 : memref<!tpu.dma_semaphore, #tpu.memory_space<semaphore_mem>>)
      } else {
      }
      %rem3A_51 = arith.constant 2 : i32
      %rem3A_52 = arith.remsi %scan3A_46, %rem3A_51 : i32
      %eq3A_53 = arith.constant 1 : i32
      %eq3A_54 = arith.cmpi eq, %rem3A_52, %eq3A_53 : i32
      %convert_element_type3A_55 = arith.extui %eq3A_54 : i1 to i32
      %cond3A_56 = arith.constant 0 : i32
      %cond3A_57 = arith.cmpi ne, %convert_element_type3A_55, %cond3A_56 : i32
      scf.if %cond3A_57 {
        %ge3A = arith.constant 2 : i32
        %ge3A_59 = arith.cmpi sge, %scan3A_46, %ge3A : i32
        %convert_element_type3A_60 = arith.extui %ge3A_59 : i1 to i32
        %cond3A_61 = arith.constant 0 : i32
        %cond3A_62 = arith.cmpi ne, %convert_element_type3A_60, %cond3A_61 : i32
        scf.if %cond3A_62 {
          %sub3A = arith.constant 2 : i32
          %sub3A_338 = arith.subi %scan3A_46, %sub3A : i32
          %mul3A_339 = arith.constant 8 : i32
          %mul3A_340 = arith.muli %sub3A_338, %mul3A_339 : i32
          %add3A_341 = arith.addi %mul3A_2, %mul3A_340 : i32
          %dma_wait3A_342 = arith.constant 1 : i32
          %dma_wait3A_343 = arith.constant 0 : i32
          %dma_wait3A_344 = arith.constant 0 : i32
          %dma_wait3A_345 = arith.constant 0 : i32
          %dma_wait3A_346 = tpu.memref_slice %arg6[%dma_wait3A_342, %dma_wait3A_343, %dma_wait3A_344, %dma_wait3A_345] : memref<2x8x50x128xf32, #tpu.memory_space<vmem>> -> memref<1x8x50x128xf32, #tpu.memory_space<vmem>>
          %dma_wait3A_347 = tpu.memref_squeeze %dma_wait3A_346 : memref<1x8x50x128xf32, #tpu.memory_space<vmem>> -> memref<8x50x128xf32, #tpu.memory_space<vmem>>
          %dma_wait3A_348 = arith.constant 0 : i32
          %dma_wait3A_349 = arith.constant 0 : i32
          %dma_wait3A_350 = tpu.memref_slice %arg4[%add3A_341, %dma_wait3A_348, %dma_wait3A_349] : memref<4096x50x128xf32, #tpu.memory_space<hbm>> -> memref<8x50x128xf32, #tpu.memory_space<hbm>>
          %dma_wait3A_351 = arith.constant 0 : i32
          %dma_wait3A_352 = arith.constant 0 : i32
          %dma_wait3A_353 = tpu.memref_slice %arg4[%add3A_341, %dma_wait3A_351, %dma_wait3A_352] : memref<4096x50x128xf32, #tpu.memory_space<hbm>> -> memref<8x50x128xf32, #tpu.memory_space<hbm>>
          %dma_wait3A_354 = arith.constant 0 : i32
          %dma_wait3A_355 = arith.constant 0 : i32
          %dma_wait3A_356 = arith.constant 0 : i32
          %dma_wait3A_357 = tpu.memref_slice %arg6[%dma_wait3A_342, %dma_wait3A_354, %dma_wait3A_355, %dma_wait3A_356] : memref<2x8x50x128xf32, #tpu.memory_space<vmem>> -> memref<1x8x50x128xf32, #tpu.memory_space<vmem>>
          %dma_wait3A_358 = tpu.memref_squeeze %dma_wait3A_357 : memref<1x8x50x128xf32, #tpu.memory_space<vmem>> -> memref<8x50x128xf32, #tpu.memory_space<vmem>>
          tpu.wait_dma2 semaphore(%arg9 : memref<!tpu.dma_semaphore, #tpu.memory_space<semaphore_mem>>) src(%dma_wait3A_358 : memref<8x50x128xf32, #tpu.memory_space<vmem>>) dst(%dma_wait3A_353 : memref<8x50x128xf32, #tpu.memory_space<hbm>>)
        } else {
        }
        %mul3A_63 = arith.constant 8 : i32
        %mul3A_64 = arith.muli %scan3A_46, %mul3A_63 : i32
        %add3A_65 = arith.constant 0 : i32
        %add3A_66 = arith.addi %mul3A_64, %add3A_65 : i32
        %dma_start3A = arith.constant 1 : i32
        %dma_start3A_67 = arith.constant 0 : i32
        %dma_start3A_68 = arith.constant 0 : i32
        %dma_start3A_69 = arith.constant 0 : i32
        %dma_start3A_70 = tpu.memref_slice %arg6[%dma_start3A, %dma_start3A_67, %dma_start3A_68, %dma_start3A_69] : memref<2x8x50x128xf32, #tpu.memory_space<vmem>> -> memref<1x1x50x128xf32, #tpu.memory_space<vmem>>
        %dma_start3A_71 = tpu.memref_squeeze %dma_start3A_70 : memref<1x1x50x128xf32, #tpu.memory_space<vmem>> -> memref<50x128xf32, #tpu.memory_space<vmem>>
        %dma_start3A_72 = arith.constant 0 : i32
        %dma_start3A_73 = tpu.memref_slice %arg5[%add3A_66, %dma_start3A_72] : memref<128x50xi32, #tpu.memory_space<vmem>> -> memref<1x50xi32, #tpu.memory_space<vmem>>
        %dma_start3A_74 = tpu.memref_squeeze %dma_start3A_73 : memref<1x50xi32, #tpu.memory_space<vmem>> -> memref<50xi32, #tpu.memory_space<vmem>>
        %dma_start3A_75 = arith.constant 0 : i32
        %dma_start3A_76 = arith.constant 0 : i32
        %dma_start3A_77 = tpu.memref_slice %arg3[%dma_start3A_75, %dma_start3A_76] : memref<1015808x128xf32, #tpu.memory_space<hbm>> -> memref<1015808x128xf32, #tpu.memory_space<hbm>>
        tpu.enqueue_indirect_dma source(%dma_start3A_77 : memref<1015808x128xf32, #tpu.memory_space<hbm>>) target(%dma_start3A_71 : memref<50x128xf32, #tpu.memory_space<vmem>>) offsets(%dma_start3A_74 : memref<50xi32, #tpu.memory_space<vmem>>) semaphore(%arg7 : memref<!tpu.dma_semaphore, #tpu.memory_space<semaphore_mem>>)
        %mul3A_78 = arith.constant 8 : i32
        %mul3A_79 = arith.muli %scan3A_46, %mul3A_78 : i32
        %add3A_80 = arith.constant 1 : i32
        %add3A_81 = arith.addi %mul3A_79, %add3A_80 : i32
        %dma_start3A_82 = arith.constant 1 : i32
        %dma_start3A_83 = arith.constant 1 : i32
        %dma_start3A_84 = arith.constant 0 : i32
        %dma_start3A_85 = arith.constant 0 : i32
        %dma_start3A_86 = tpu.memref_slice %arg6[%dma_start3A_82, %dma_start3A_83, %dma_start3A_84, %dma_start3A_85] : memref<2x8x50x128xf32, #tpu.memory_space<vmem>> -> memref<1x1x50x128xf32, #tpu.memory_space<vmem>>
        %dma_start3A_87 = tpu.memref_squeeze %dma_start3A_86 : memref<1x1x50x128xf32, #tpu.memory_space<vmem>> -> memref<50x128xf32, #tpu.memory_space<vmem>>
        %dma_start3A_88 = arith.constant 0 : i32
        %dma_start3A_89 = tpu.memref_slice %arg5[%add3A_81, %dma_start3A_88] : memref<128x50xi32, #tpu.memory_space<vmem>> -> memref<1x50xi32, #tpu.memory_space<vmem>>
        %dma_start3A_90 = tpu.memref_squeeze %dma_start3A_89 : memref<1x50xi32, #tpu.memory_space<vmem>> -> memref<50xi32, #tpu.memory_space<vmem>>
        %dma_start3A_91 = arith.constant 0 : i32
        %dma_start3A_92 = arith.constant 0 : i32
        %dma_start3A_93 = tpu.memref_slice %arg3[%dma_start3A_91, %dma_start3A_92] : memref<1015808x128xf32, #tpu.memory_space<hbm>> -> memref<1015808x128xf32, #tpu.memory_space<hbm>>
        tpu.enqueue_indirect_dma source(%dma_start3A_93 : memref<1015808x128xf32, #tpu.memory_space<hbm>>) target(%dma_start3A_87 : memref<50x128xf32, #tpu.memory_space<vmem>>) offsets(%dma_start3A_90 : memref<50xi32, #tpu.memory_space<vmem>>) semaphore(%arg7 : memref<!tpu.dma_semaphore, #tpu.memory_space<semaphore_mem>>)
        %mul3A_94 = arith.constant 8 : i32
        %mul3A_95 = arith.muli %scan3A_46, %mul3A_94 : i32
        %add3A_96 = arith.constant 2 : i32
        %add3A_97 = arith.addi %mul3A_95, %add3A_96 : i32
        %dma_start3A_98 = arith.constant 1 : i32
        %dma_start3A_99 = arith.constant 2 : i32
        %dma_start3A_100 = arith.constant 0 : i32
        %dma_start3A_101 = arith.constant 0 : i32
        %dma_start3A_102 = tpu.memref_slice %arg6[%dma_start3A_98, %dma_start3A_99, %dma_start3A_100, %dma_start3A_101] : memref<2x8x50x128xf32, #tpu.memory_space<vmem>> -> memref<1x1x50x128xf32, #tpu.memory_space<vmem>>
        %dma_start3A_103 = tpu.memref_squeeze %dma_start3A_102 : memref<1x1x50x128xf32, #tpu.memory_space<vmem>> -> memref<50x128xf32, #tpu.memory_space<vmem>>
        %dma_start3A_104 = arith.constant 0 : i32
        %dma_start3A_105 = tpu.memref_slice %arg5[%add3A_97, %dma_start3A_104] : memref<128x50xi32, #tpu.memory_space<vmem>> -> memref<1x50xi32, #tpu.memory_space<vmem>>
        %dma_start3A_106 = tpu.memref_squeeze %dma_start3A_105 : memref<1x50xi32, #tpu.memory_space<vmem>> -> memref<50xi32, #tpu.memory_space<vmem>>
        %dma_start3A_107 = arith.constant 0 : i32
        %dma_start3A_108 = arith.constant 0 : i32
        %dma_start3A_109 = tpu.memref_slice %arg3[%dma_start3A_107, %dma_start3A_108] : memref<1015808x128xf32, #tpu.memory_space<hbm>> -> memref<1015808x128xf32, #tpu.memory_space<hbm>>
        tpu.enqueue_indirect_dma source(%dma_start3A_109 : memref<1015808x128xf32, #tpu.memory_space<hbm>>) target(%dma_start3A_103 : memref<50x128xf32, #tpu.memory_space<vmem>>) offsets(%dma_start3A_106 : memref<50xi32, #tpu.memory_space<vmem>>) semaphore(%arg7 : memref<!tpu.dma_semaphore, #tpu.memory_space<semaphore_mem>>)
        %mul3A_110 = arith.constant 8 : i32
        %mul3A_111 = arith.muli %scan3A_46, %mul3A_110 : i32
        %add3A_112 = arith.constant 3 : i32
        %add3A_113 = arith.addi %mul3A_111, %add3A_112 : i32
        %dma_start3A_114 = arith.constant 1 : i32
        %dma_start3A_115 = arith.constant 3 : i32
        %dma_start3A_116 = arith.constant 0 : i32
        %dma_start3A_117 = arith.constant 0 : i32
        %dma_start3A_118 = tpu.memref_slice %arg6[%dma_start3A_114, %dma_start3A_115, %dma_start3A_116, %dma_start3A_117] : memref<2x8x50x128xf32, #tpu.memory_space<vmem>> -> memref<1x1x50x128xf32, #tpu.memory_space<vmem>>
        %dma_start3A_119 = tpu.memref_squeeze %dma_start3A_118 : memref<1x1x50x128xf32, #tpu.memory_space<vmem>> -> memref<50x128xf32, #tpu.memory_space<vmem>>
        %dma_start3A_120 = arith.constant 0 : i32
        %dma_start3A_121 = tpu.memref_slice %arg5[%add3A_113, %dma_start3A_120] : memref<128x50xi32, #tpu.memory_space<vmem>> -> memref<1x50xi32, #tpu.memory_space<vmem>>
        %dma_start3A_122 = tpu.memref_squeeze %dma_start3A_121 : memref<1x50xi32, #tpu.memory_space<vmem>> -> memref<50xi32, #tpu.memory_space<vmem>>
        %dma_start3A_123 = arith.constant 0 : i32
        %dma_start3A_124 = arith.constant 0 : i32
        %dma_start3A_125 = tpu.memref_slice %arg3[%dma_start3A_123, %dma_start3A_124] : memref<1015808x128xf32, #tpu.memory_space<hbm>> -> memref<1015808x128xf32, #tpu.memory_space<hbm>>
        tpu.enqueue_indirect_dma source(%dma_start3A_125 : memref<1015808x128xf32, #tpu.memory_space<hbm>>) target(%dma_start3A_119 : memref<50x128xf32, #tpu.memory_space<vmem>>) offsets(%dma_start3A_122 : memref<50xi32, #tpu.memory_space<vmem>>) semaphore(%arg7 : memref<!tpu.dma_semaphore, #tpu.memory_space<semaphore_mem>>)
        %mul3A_126 = arith.constant 8 : i32
        %mul3A_127 = arith.muli %scan3A_46, %mul3A_126 : i32
        %add3A_128 = arith.constant 4 : i32
        %add3A_129 = arith.addi %mul3A_127, %add3A_128 : i32
        %dma_start3A_130 = arith.constant 1 : i32
        %dma_start3A_131 = arith.constant 4 : i32
        %dma_start3A_132 = arith.constant 0 : i32
        %dma_start3A_133 = arith.constant 0 : i32
        %dma_start3A_134 = tpu.memref_slice %arg6[%dma_start3A_130, %dma_start3A_131, %dma_start3A_132, %dma_start3A_133] : memref<2x8x50x128xf32, #tpu.memory_space<vmem>> -> memref<1x1x50x128xf32, #tpu.memory_space<vmem>>
        %dma_start3A_135 = tpu.memref_squeeze %dma_start3A_134 : memref<1x1x50x128xf32, #tpu.memory_space<vmem>> -> memref<50x128xf32, #tpu.memory_space<vmem>>
        %dma_start3A_136 = arith.constant 0 : i32
        %dma_start3A_137 = tpu.memref_slice %arg5[%add3A_129, %dma_start3A_136] : memref<128x50xi32, #tpu.memory_space<vmem>> -> memref<1x50xi32, #tpu.memory_space<vmem>>
        %dma_start3A_138 = tpu.memref_squeeze %dma_start3A_137 : memref<1x50xi32, #tpu.memory_space<vmem>> -> memref<50xi32, #tpu.memory_space<vmem>>
        %dma_start3A_139 = arith.constant 0 : i32
        %dma_start3A_140 = arith.constant 0 : i32
        %dma_start3A_141 = tpu.memref_slice %arg3[%dma_start3A_139, %dma_start3A_140] : memref<1015808x128xf32, #tpu.memory_space<hbm>> -> memref<1015808x128xf32, #tpu.memory_space<hbm>>
        tpu.enqueue_indirect_dma source(%dma_start3A_141 : memref<1015808x128xf32, #tpu.memory_space<hbm>>) target(%dma_start3A_135 : memref<50x128xf32, #tpu.memory_space<vmem>>) offsets(%dma_start3A_138 : memref<50xi32, #tpu.memory_space<vmem>>) semaphore(%arg7 : memref<!tpu.dma_semaphore, #tpu.memory_space<semaphore_mem>>)
        %mul3A_142 = arith.constant 8 : i32
        %mul3A_143 = arith.muli %scan3A_46, %mul3A_142 : i32
        %add3A_144 = arith.constant 5 : i32
        %add3A_145 = arith.addi %mul3A_143, %add3A_144 : i32
        %dma_start3A_146 = arith.constant 1 : i32
        %dma_start3A_147 = arith.constant 5 : i32
        %dma_start3A_148 = arith.constant 0 : i32
        %dma_start3A_149 = arith.constant 0 : i32
        %dma_start3A_150 = tpu.memref_slice %arg6[%dma_start3A_146, %dma_start3A_147, %dma_start3A_148, %dma_start3A_149] : memref<2x8x50x128xf32, #tpu.memory_space<vmem>> -> memref<1x1x50x128xf32, #tpu.memory_space<vmem>>
        %dma_start3A_151 = tpu.memref_squeeze %dma_start3A_150 : memref<1x1x50x128xf32, #tpu.memory_space<vmem>> -> memref<50x128xf32, #tpu.memory_space<vmem>>
        %dma_start3A_152 = arith.constant 0 : i32
        %dma_start3A_153 = tpu.memref_slice %arg5[%add3A_145, %dma_start3A_152] : memref<128x50xi32, #tpu.memory_space<vmem>> -> memref<1x50xi32, #tpu.memory_space<vmem>>
        %dma_start3A_154 = tpu.memref_squeeze %dma_start3A_153 : memref<1x50xi32, #tpu.memory_space<vmem>> -> memref<50xi32, #tpu.memory_space<vmem>>
        %dma_start3A_155 = arith.constant 0 : i32
        %dma_start3A_156 = arith.constant 0 : i32
        %dma_start3A_157 = tpu.memref_slice %arg3[%dma_start3A_155, %dma_start3A_156] : memref<1015808x128xf32, #tpu.memory_space<hbm>> -> memref<1015808x128xf32, #tpu.memory_space<hbm>>
        tpu.enqueue_indirect_dma source(%dma_start3A_157 : memref<1015808x128xf32, #tpu.memory_space<hbm>>) target(%dma_start3A_151 : memref<50x128xf32, #tpu.memory_space<vmem>>) offsets(%dma_start3A_154 : memref<50xi32, #tpu.memory_space<vmem>>) semaphore(%arg7 : memref<!tpu.dma_semaphore, #tpu.memory_space<semaphore_mem>>)
        %mul3A_158 = arith.constant 8 : i32
        %mul3A_159 = arith.muli %scan3A_46, %mul3A_158 : i32
        %add3A_160 = arith.constant 6 : i32
        %add3A_161 = arith.addi %mul3A_159, %add3A_160 : i32
        %dma_start3A_162 = arith.constant 1 : i32
        %dma_start3A_163 = arith.constant 6 : i32
        %dma_start3A_164 = arith.constant 0 : i32
        %dma_start3A_165 = arith.constant 0 : i32
        %dma_start3A_166 = tpu.memref_slice %arg6[%dma_start3A_162, %dma_start3A_163, %dma_start3A_164, %dma_start3A_165] : memref<2x8x50x128xf32, #tpu.memory_space<vmem>> -> memref<1x1x50x128xf32, #tpu.memory_space<vmem>>
        %dma_start3A_167 = tpu.memref_squeeze %dma_start3A_166 : memref<1x1x50x128xf32, #tpu.memory_space<vmem>> -> memref<50x128xf32, #tpu.memory_space<vmem>>
        %dma_start3A_168 = arith.constant 0 : i32
        %dma_start3A_169 = tpu.memref_slice %arg5[%add3A_161, %dma_start3A_168] : memref<128x50xi32, #tpu.memory_space<vmem>> -> memref<1x50xi32, #tpu.memory_space<vmem>>
        %dma_start3A_170 = tpu.memref_squeeze %dma_start3A_169 : memref<1x50xi32, #tpu.memory_space<vmem>> -> memref<50xi32, #tpu.memory_space<vmem>>
        %dma_start3A_171 = arith.constant 0 : i32
        %dma_start3A_172 = arith.constant 0 : i32
        %dma_start3A_173 = tpu.memref_slice %arg3[%dma_start3A_171, %dma_start3A_172] : memref<1015808x128xf32, #tpu.memory_space<hbm>> -> memref<1015808x128xf32, #tpu.memory_space<hbm>>
        tpu.enqueue_indirect_dma source(%dma_start3A_173 : memref<1015808x128xf32, #tpu.memory_space<hbm>>) target(%dma_start3A_167 : memref<50x128xf32, #tpu.memory_space<vmem>>) offsets(%dma_start3A_170 : memref<50xi32, #tpu.memory_space<vmem>>) semaphore(%arg7 : memref<!tpu.dma_semaphore, #tpu.memory_space<semaphore_mem>>)
        %mul3A_174 = arith.constant 8 : i32
        %mul3A_175 = arith.muli %scan3A_46, %mul3A_174 : i32
        %add3A_176 = arith.constant 7 : i32
        %add3A_177 = arith.addi %mul3A_175, %add3A_176 : i32
        %dma_start3A_178 = arith.constant 1 : i32
        %dma_start3A_179 = arith.constant 7 : i32
        %dma_start3A_180 = arith.constant 0 : i32
        %dma_start3A_181 = arith.constant 0 : i32
        %dma_start3A_182 = tpu.memref_slice %arg6[%dma_start3A_178, %dma_start3A_179, %dma_start3A_180, %dma_start3A_181] : memref<2x8x50x128xf32, #tpu.memory_space<vmem>> -> memref<1x1x50x128xf32, #tpu.memory_space<vmem>>
        %dma_start3A_183 = tpu.memref_squeeze %dma_start3A_182 : memref<1x1x50x128xf32, #tpu.memory_space<vmem>> -> memref<50x128xf32, #tpu.memory_space<vmem>>
        %dma_start3A_184 = arith.constant 0 : i32
        %dma_start3A_185 = tpu.memref_slice %arg5[%add3A_177, %dma_start3A_184] : memref<128x50xi32, #tpu.memory_space<vmem>> -> memref<1x50xi32, #tpu.memory_space<vmem>>
        %dma_start3A_186 = tpu.memref_squeeze %dma_start3A_185 : memref<1x50xi32, #tpu.memory_space<vmem>> -> memref<50xi32, #tpu.memory_space<vmem>>
        %dma_start3A_187 = arith.constant 0 : i32
        %dma_start3A_188 = arith.constant 0 : i32
        %dma_start3A_189 = tpu.memref_slice %arg3[%dma_start3A_187, %dma_start3A_188] : memref<1015808x128xf32, #tpu.memory_space<hbm>> -> memref<1015808x128xf32, #tpu.memory_space<hbm>>
        tpu.enqueue_indirect_dma source(%dma_start3A_189 : memref<1015808x128xf32, #tpu.memory_space<hbm>>) target(%dma_start3A_183 : memref<50x128xf32, #tpu.memory_space<vmem>>) offsets(%dma_start3A_186 : memref<50xi32, #tpu.memory_space<vmem>>) semaphore(%arg7 : memref<!tpu.dma_semaphore, #tpu.memory_space<semaphore_mem>>)
        %mul3A_190 = arith.constant 8 : i32
        %mul3A_191 = arith.muli %scan3A_46, %mul3A_190 : i32
        %add3A_192 = arith.constant 0 : i32
        %add3A_193 = arith.addi %mul3A_191, %add3A_192 : i32
        %dma_wait3A_194 = arith.constant 1 : i32
        %dma_wait3A_195 = arith.constant 0 : i32
        %dma_wait3A_196 = arith.constant 0 : i32
        %dma_wait3A_197 = arith.constant 0 : i32
        %dma_wait3A_198 = tpu.memref_slice %arg6[%dma_wait3A_194, %dma_wait3A_195, %dma_wait3A_196, %dma_wait3A_197] : memref<2x8x50x128xf32, #tpu.memory_space<vmem>> -> memref<1x1x50x128xf32, #tpu.memory_space<vmem>>
        %dma_wait3A_199 = tpu.memref_squeeze %dma_wait3A_198 : memref<1x1x50x128xf32, #tpu.memory_space<vmem>> -> memref<50x128xf32, #tpu.memory_space<vmem>>
        %dma_wait3A_200 = arith.constant 0 : i32
        %dma_wait3A_201 = tpu.memref_slice %arg5[%add3A_193, %dma_wait3A_200] : memref<128x50xi32, #tpu.memory_space<vmem>> -> memref<1x50xi32, #tpu.memory_space<vmem>>
        %dma_wait3A_202 = tpu.memref_squeeze %dma_wait3A_201 : memref<1x50xi32, #tpu.memory_space<vmem>> -> memref<50xi32, #tpu.memory_space<vmem>>
        %dma_wait3A_203 = arith.constant 0 : i32
        %dma_wait3A_204 = arith.constant 0 : i32
        %dma_wait3A_205 = tpu.memref_slice %arg3[%dma_wait3A_203, %dma_wait3A_204] : memref<1015808x128xf32, #tpu.memory_space<hbm>> -> memref<1015808x128xf32, #tpu.memory_space<hbm>>
        tpu.wait_indirect_dma semaphore(%arg7 : memref<!tpu.dma_semaphore, #tpu.memory_space<semaphore_mem>>) src(%dma_wait3A_205 : memref<1015808x128xf32, #tpu.memory_space<hbm>>) dst(%dma_wait3A_199 : memref<50x128xf32, #tpu.memory_space<vmem>>)
        %mul3A_206 = arith.constant 8 : i32
        %mul3A_207 = arith.muli %scan3A_46, %mul3A_206 : i32
        %add3A_208 = arith.constant 1 : i32
        %add3A_209 = arith.addi %mul3A_207, %add3A_208 : i32
        %dma_wait3A_210 = arith.constant 1 : i32
        %dma_wait3A_211 = arith.constant 1 : i32
        %dma_wait3A_212 = arith.constant 0 : i32
        %dma_wait3A_213 = arith.constant 0 : i32
        %dma_wait3A_214 = tpu.memref_slice %arg6[%dma_wait3A_210, %dma_wait3A_211, %dma_wait3A_212, %dma_wait3A_213] : memref<2x8x50x128xf32, #tpu.memory_space<vmem>> -> memref<1x1x50x128xf32, #tpu.memory_space<vmem>>
        %dma_wait3A_215 = tpu.memref_squeeze %dma_wait3A_214 : memref<1x1x50x128xf32, #tpu.memory_space<vmem>> -> memref<50x128xf32, #tpu.memory_space<vmem>>
        %dma_wait3A_216 = arith.constant 0 : i32
        %dma_wait3A_217 = tpu.memref_slice %arg5[%add3A_209, %dma_wait3A_216] : memref<128x50xi32, #tpu.memory_space<vmem>> -> memref<1x50xi32, #tpu.memory_space<vmem>>
        %dma_wait3A_218 = tpu.memref_squeeze %dma_wait3A_217 : memref<1x50xi32, #tpu.memory_space<vmem>> -> memref<50xi32, #tpu.memory_space<vmem>>
        %dma_wait3A_219 = arith.constant 0 : i32
        %dma_wait3A_220 = arith.constant 0 : i32
        %dma_wait3A_221 = tpu.memref_slice %arg3[%dma_wait3A_219, %dma_wait3A_220] : memref<1015808x128xf32, #tpu.memory_space<hbm>> -> memref<1015808x128xf32, #tpu.memory_space<hbm>>
        tpu.wait_indirect_dma semaphore(%arg7 : memref<!tpu.dma_semaphore, #tpu.memory_space<semaphore_mem>>) src(%dma_wait3A_221 : memref<1015808x128xf32, #tpu.memory_space<hbm>>) dst(%dma_wait3A_215 : memref<50x128xf32, #tpu.memory_space<vmem>>)
        %mul3A_222 = arith.constant 8 : i32
        %mul3A_223 = arith.muli %scan3A_46, %mul3A_222 : i32
        %add3A_224 = arith.constant 2 : i32
        %add3A_225 = arith.addi %mul3A_223, %add3A_224 : i32
        %dma_wait3A_226 = arith.constant 1 : i32
        %dma_wait3A_227 = arith.constant 2 : i32
        %dma_wait3A_228 = arith.constant 0 : i32
        %dma_wait3A_229 = arith.constant 0 : i32
        %dma_wait3A_230 = tpu.memref_slice %arg6[%dma_wait3A_226, %dma_wait3A_227, %dma_wait3A_228, %dma_wait3A_229] : memref<2x8x50x128xf32, #tpu.memory_space<vmem>> -> memref<1x1x50x128xf32, #tpu.memory_space<vmem>>
        %dma_wait3A_231 = tpu.memref_squeeze %dma_wait3A_230 : memref<1x1x50x128xf32, #tpu.memory_space<vmem>> -> memref<50x128xf32, #tpu.memory_space<vmem>>
        %dma_wait3A_232 = arith.constant 0 : i32
        %dma_wait3A_233 = tpu.memref_slice %arg5[%add3A_225, %dma_wait3A_232] : memref<128x50xi32, #tpu.memory_space<vmem>> -> memref<1x50xi32, #tpu.memory_space<vmem>>
        %dma_wait3A_234 = tpu.memref_squeeze %dma_wait3A_233 : memref<1x50xi32, #tpu.memory_space<vmem>> -> memref<50xi32, #tpu.memory_space<vmem>>
        %dma_wait3A_235 = arith.constant 0 : i32
        %dma_wait3A_236 = arith.constant 0 : i32
        %dma_wait3A_237 = tpu.memref_slice %arg3[%dma_wait3A_235, %dma_wait3A_236] : memref<1015808x128xf32, #tpu.memory_space<hbm>> -> memref<1015808x128xf32, #tpu.memory_space<hbm>>
        tpu.wait_indirect_dma semaphore(%arg7 : memref<!tpu.dma_semaphore, #tpu.memory_space<semaphore_mem>>) src(%dma_wait3A_237 : memref<1015808x128xf32, #tpu.memory_space<hbm>>) dst(%dma_wait3A_231 : memref<50x128xf32, #tpu.memory_space<vmem>>)
        %mul3A_238 = arith.constant 8 : i32
        %mul3A_239 = arith.muli %scan3A_46, %mul3A_238 : i32
        %add3A_240 = arith.constant 3 : i32
        %add3A_241 = arith.addi %mul3A_239, %add3A_240 : i32
        %dma_wait3A_242 = arith.constant 1 : i32
        %dma_wait3A_243 = arith.constant 3 : i32
        %dma_wait3A_244 = arith.constant 0 : i32
        %dma_wait3A_245 = arith.constant 0 : i32
        %dma_wait3A_246 = tpu.memref_slice %arg6[%dma_wait3A_242, %dma_wait3A_243, %dma_wait3A_244, %dma_wait3A_245] : memref<2x8x50x128xf32, #tpu.memory_space<vmem>> -> memref<1x1x50x128xf32, #tpu.memory_space<vmem>>
        %dma_wait3A_247 = tpu.memref_squeeze %dma_wait3A_246 : memref<1x1x50x128xf32, #tpu.memory_space<vmem>> -> memref<50x128xf32, #tpu.memory_space<vmem>>
        %dma_wait3A_248 = arith.constant 0 : i32
        %dma_wait3A_249 = tpu.memref_slice %arg5[%add3A_241, %dma_wait3A_248] : memref<128x50xi32, #tpu.memory_space<vmem>> -> memref<1x50xi32, #tpu.memory_space<vmem>>
        %dma_wait3A_250 = tpu.memref_squeeze %dma_wait3A_249 : memref<1x50xi32, #tpu.memory_space<vmem>> -> memref<50xi32, #tpu.memory_space<vmem>>
        %dma_wait3A_251 = arith.constant 0 : i32
        %dma_wait3A_252 = arith.constant 0 : i32
        %dma_wait3A_253 = tpu.memref_slice %arg3[%dma_wait3A_251, %dma_wait3A_252] : memref<1015808x128xf32, #tpu.memory_space<hbm>> -> memref<1015808x128xf32, #tpu.memory_space<hbm>>
        tpu.wait_indirect_dma semaphore(%arg7 : memref<!tpu.dma_semaphore, #tpu.memory_space<semaphore_mem>>) src(%dma_wait3A_253 : memref<1015808x128xf32, #tpu.memory_space<hbm>>) dst(%dma_wait3A_247 : memref<50x128xf32, #tpu.memory_space<vmem>>)
        %mul3A_254 = arith.constant 8 : i32
        %mul3A_255 = arith.muli %scan3A_46, %mul3A_254 : i32
        %add3A_256 = arith.constant 4 : i32
        %add3A_257 = arith.addi %mul3A_255, %add3A_256 : i32
        %dma_wait3A_258 = arith.constant 1 : i32
        %dma_wait3A_259 = arith.constant 4 : i32
        %dma_wait3A_260 = arith.constant 0 : i32
        %dma_wait3A_261 = arith.constant 0 : i32
        %dma_wait3A_262 = tpu.memref_slice %arg6[%dma_wait3A_258, %dma_wait3A_259, %dma_wait3A_260, %dma_wait3A_261] : memref<2x8x50x128xf32, #tpu.memory_space<vmem>> -> memref<1x1x50x128xf32, #tpu.memory_space<vmem>>
        %dma_wait3A_263 = tpu.memref_squeeze %dma_wait3A_262 : memref<1x1x50x128xf32, #tpu.memory_space<vmem>> -> memref<50x128xf32, #tpu.memory_space<vmem>>
        %dma_wait3A_264 = arith.constant 0 : i32
        %dma_wait3A_265 = tpu.memref_slice %arg5[%add3A_257, %dma_wait3A_264] : memref<128x50xi32, #tpu.memory_space<vmem>> -> memref<1x50xi32, #tpu.memory_space<vmem>>
        %dma_wait3A_266 = tpu.memref_squeeze %dma_wait3A_265 : memref<1x50xi32, #tpu.memory_space<vmem>> -> memref<50xi32, #tpu.memory_space<vmem>>
        %dma_wait3A_267 = arith.constant 0 : i32
        %dma_wait3A_268 = arith.constant 0 : i32
        %dma_wait3A_269 = tpu.memref_slice %arg3[%dma_wait3A_267, %dma_wait3A_268] : memref<1015808x128xf32, #tpu.memory_space<hbm>> -> memref<1015808x128xf32, #tpu.memory_space<hbm>>
        tpu.wait_indirect_dma semaphore(%arg7 : memref<!tpu.dma_semaphore, #tpu.memory_space<semaphore_mem>>) src(%dma_wait3A_269 : memref<1015808x128xf32, #tpu.memory_space<hbm>>) dst(%dma_wait3A_263 : memref<50x128xf32, #tpu.memory_space<vmem>>)
        %mul3A_270 = arith.constant 8 : i32
        %mul3A_271 = arith.muli %scan3A_46, %mul3A_270 : i32
        %add3A_272 = arith.constant 5 : i32
        %add3A_273 = arith.addi %mul3A_271, %add3A_272 : i32
        %dma_wait3A_274 = arith.constant 1 : i32
        %dma_wait3A_275 = arith.constant 5 : i32
        %dma_wait3A_276 = arith.constant 0 : i32
        %dma_wait3A_277 = arith.constant 0 : i32
        %dma_wait3A_278 = tpu.memref_slice %arg6[%dma_wait3A_274, %dma_wait3A_275, %dma_wait3A_276, %dma_wait3A_277] : memref<2x8x50x128xf32, #tpu.memory_space<vmem>> -> memref<1x1x50x128xf32, #tpu.memory_space<vmem>>
        %dma_wait3A_279 = tpu.memref_squeeze %dma_wait3A_278 : memref<1x1x50x128xf32, #tpu.memory_space<vmem>> -> memref<50x128xf32, #tpu.memory_space<vmem>>
        %dma_wait3A_280 = arith.constant 0 : i32
        %dma_wait3A_281 = tpu.memref_slice %arg5[%add3A_273, %dma_wait3A_280] : memref<128x50xi32, #tpu.memory_space<vmem>> -> memref<1x50xi32, #tpu.memory_space<vmem>>
        %dma_wait3A_282 = tpu.memref_squeeze %dma_wait3A_281 : memref<1x50xi32, #tpu.memory_space<vmem>> -> memref<50xi32, #tpu.memory_space<vmem>>
        %dma_wait3A_283 = arith.constant 0 : i32
        %dma_wait3A_284 = arith.constant 0 : i32
        %dma_wait3A_285 = tpu.memref_slice %arg3[%dma_wait3A_283, %dma_wait3A_284] : memref<1015808x128xf32, #tpu.memory_space<hbm>> -> memref<1015808x128xf32, #tpu.memory_space<hbm>>
        tpu.wait_indirect_dma semaphore(%arg7 : memref<!tpu.dma_semaphore, #tpu.memory_space<semaphore_mem>>) src(%dma_wait3A_285 : memref<1015808x128xf32, #tpu.memory_space<hbm>>) dst(%dma_wait3A_279 : memref<50x128xf32, #tpu.memory_space<vmem>>)
        %mul3A_286 = arith.constant 8 : i32
        %mul3A_287 = arith.muli %scan3A_46, %mul3A_286 : i32
        %add3A_288 = arith.constant 6 : i32
        %add3A_289 = arith.addi %mul3A_287, %add3A_288 : i32
        %dma_wait3A_290 = arith.constant 1 : i32
        %dma_wait3A_291 = arith.constant 6 : i32
        %dma_wait3A_292 = arith.constant 0 : i32
        %dma_wait3A_293 = arith.constant 0 : i32
        %dma_wait3A_294 = tpu.memref_slice %arg6[%dma_wait3A_290, %dma_wait3A_291, %dma_wait3A_292, %dma_wait3A_293] : memref<2x8x50x128xf32, #tpu.memory_space<vmem>> -> memref<1x1x50x128xf32, #tpu.memory_space<vmem>>
        %dma_wait3A_295 = tpu.memref_squeeze %dma_wait3A_294 : memref<1x1x50x128xf32, #tpu.memory_space<vmem>> -> memref<50x128xf32, #tpu.memory_space<vmem>>
        %dma_wait3A_296 = arith.constant 0 : i32
        %dma_wait3A_297 = tpu.memref_slice %arg5[%add3A_289, %dma_wait3A_296] : memref<128x50xi32, #tpu.memory_space<vmem>> -> memref<1x50xi32, #tpu.memory_space<vmem>>
        %dma_wait3A_298 = tpu.memref_squeeze %dma_wait3A_297 : memref<1x50xi32, #tpu.memory_space<vmem>> -> memref<50xi32, #tpu.memory_space<vmem>>
        %dma_wait3A_299 = arith.constant 0 : i32
        %dma_wait3A_300 = arith.constant 0 : i32
        %dma_wait3A_301 = tpu.memref_slice %arg3[%dma_wait3A_299, %dma_wait3A_300] : memref<1015808x128xf32, #tpu.memory_space<hbm>> -> memref<1015808x128xf32, #tpu.memory_space<hbm>>
        tpu.wait_indirect_dma semaphore(%arg7 : memref<!tpu.dma_semaphore, #tpu.memory_space<semaphore_mem>>) src(%dma_wait3A_301 : memref<1015808x128xf32, #tpu.memory_space<hbm>>) dst(%dma_wait3A_295 : memref<50x128xf32, #tpu.memory_space<vmem>>)
        %mul3A_302 = arith.constant 8 : i32
        %mul3A_303 = arith.muli %scan3A_46, %mul3A_302 : i32
        %add3A_304 = arith.constant 7 : i32
        %add3A_305 = arith.addi %mul3A_303, %add3A_304 : i32
        %dma_wait3A_306 = arith.constant 1 : i32
        %dma_wait3A_307 = arith.constant 7 : i32
        %dma_wait3A_308 = arith.constant 0 : i32
        %dma_wait3A_309 = arith.constant 0 : i32
        %dma_wait3A_310 = tpu.memref_slice %arg6[%dma_wait3A_306, %dma_wait3A_307, %dma_wait3A_308, %dma_wait3A_309] : memref<2x8x50x128xf32, #tpu.memory_space<vmem>> -> memref<1x1x50x128xf32, #tpu.memory_space<vmem>>
        %dma_wait3A_311 = tpu.memref_squeeze %dma_wait3A_310 : memref<1x1x50x128xf32, #tpu.memory_space<vmem>> -> memref<50x128xf32, #tpu.memory_space<vmem>>
        %dma_wait3A_312 = arith.constant 0 : i32
        %dma_wait3A_313 = tpu.memref_slice %arg5[%add3A_305, %dma_wait3A_312] : memref<128x50xi32, #tpu.memory_space<vmem>> -> memref<1x50xi32, #tpu.memory_space<vmem>>
        %dma_wait3A_314 = tpu.memref_squeeze %dma_wait3A_313 : memref<1x50xi32, #tpu.memory_space<vmem>> -> memref<50xi32, #tpu.memory_space<vmem>>
        %dma_wait3A_315 = arith.constant 0 : i32
        %dma_wait3A_316 = arith.constant 0 : i32
        %dma_wait3A_317 = tpu.memref_slice %arg3[%dma_wait3A_315, %dma_wait3A_316] : memref<1015808x128xf32, #tpu.memory_space<hbm>> -> memref<1015808x128xf32, #tpu.memory_space<hbm>>
        tpu.wait_indirect_dma semaphore(%arg7 : memref<!tpu.dma_semaphore, #tpu.memory_space<semaphore_mem>>) src(%dma_wait3A_317 : memref<1015808x128xf32, #tpu.memory_space<hbm>>) dst(%dma_wait3A_311 : memref<50x128xf32, #tpu.memory_space<vmem>>)
        %mul3A_318 = arith.constant 8 : i32
        %mul3A_319 = arith.muli %scan3A_46, %mul3A_318 : i32
        %add3A_320 = arith.addi %mul3A_2, %mul3A_319 : i32
        %dma_start3A_321 = arith.constant 1 : i32
        %dma_start3A_322 = arith.constant 0 : i32
        %dma_start3A_323 = arith.constant 0 : i32
        %dma_start3A_324 = arith.constant 0 : i32
        %dma_start3A_325 = tpu.memref_slice %arg6[%dma_start3A_321, %dma_start3A_322, %dma_start3A_323, %dma_start3A_324] : memref<2x8x50x128xf32, #tpu.memory_space<vmem>> -> memref<1x8x50x128xf32, #tpu.memory_space<vmem>>
        %dma_start3A_326 = tpu.memref_squeeze %dma_start3A_325 : memref<1x8x50x128xf32, #tpu.memory_space<vmem>> -> memref<8x50x128xf32, #tpu.memory_space<vmem>>
        %dma_start3A_327 = arith.constant 0 : i32
        %dma_start3A_328 = arith.constant 0 : i32
        %dma_start3A_329 = tpu.memref_slice %arg4[%add3A_320, %dma_start3A_327, %dma_start3A_328] : memref<4096x50x128xf32, #tpu.memory_space<hbm>> -> memref<8x50x128xf32, #tpu.memory_space<hbm>>
        %dma_start3A_330 = arith.constant 0 : i32
        %dma_start3A_331 = arith.constant 0 : i32
        %dma_start3A_332 = tpu.memref_slice %arg4[%add3A_320, %dma_start3A_330, %dma_start3A_331] : memref<4096x50x128xf32, #tpu.memory_space<hbm>> -> memref<8x50x128xf32, #tpu.memory_space<hbm>>
        %dma_start3A_333 = arith.constant 0 : i32
        %dma_start3A_334 = arith.constant 0 : i32
        %dma_start3A_335 = arith.constant 0 : i32
        %dma_start3A_336 = tpu.memref_slice %arg6[%dma_start3A_321, %dma_start3A_333, %dma_start3A_334, %dma_start3A_335] : memref<2x8x50x128xf32, #tpu.memory_space<vmem>> -> memref<1x8x50x128xf32, #tpu.memory_space<vmem>>
        %dma_start3A_337 = tpu.memref_squeeze %dma_start3A_336 : memref<1x8x50x128xf32, #tpu.memory_space<vmem>> -> memref<8x50x128xf32, #tpu.memory_space<vmem>>
        tpu.enqueue_dma source(%dma_start3A_337 : memref<8x50x128xf32, #tpu.memory_space<vmem>>) target(%dma_start3A_332 : memref<8x50x128xf32, #tpu.memory_space<hbm>>) target_semaphore(%arg9 : memref<!tpu.dma_semaphore, #tpu.memory_space<semaphore_mem>>)
      } else {
      }
      %scan3A_58 = arith.constant 0 : i32
      scf.yield %scan3A_58 : i32
    }
    %scan3A_8 = arith.constant 16 : i32
    %add3A_9 = arith.constant 112 : i32
    %add3A_10 = arith.addi %mul3A_2, %add3A_9 : i32
    %dma_wait3A = arith.constant 0 : i32
    %dma_wait3A_11 = arith.constant 0 : i32
    %dma_wait3A_12 = arith.constant 0 : i32
    %dma_wait3A_13 = arith.constant 0 : i32
    %dma_wait3A_14 = tpu.memref_slice %arg6[%dma_wait3A, %dma_wait3A_11, %dma_wait3A_12, %dma_wait3A_13] : memref<2x8x50x128xf32, #tpu.memory_space<vmem>> -> memref<1x8x50x128xf32, #tpu.memory_space<vmem>>
    %dma_wait3A_15 = tpu.memref_squeeze %dma_wait3A_14 : memref<1x8x50x128xf32, #tpu.memory_space<vmem>> -> memref<8x50x128xf32, #tpu.memory_space<vmem>>
    %dma_wait3A_16 = arith.constant 0 : i32
    %dma_wait3A_17 = arith.constant 0 : i32
    %dma_wait3A_18 = tpu.memref_slice %arg4[%add3A_10, %dma_wait3A_16, %dma_wait3A_17] : memref<4096x50x128xf32, #tpu.memory_space<hbm>> -> memref<8x50x128xf32, #tpu.memory_space<hbm>>
    %dma_wait3A_19 = arith.constant 0 : i32
    %dma_wait3A_20 = arith.constant 0 : i32
    %dma_wait3A_21 = tpu.memref_slice %arg4[%add3A_10, %dma_wait3A_19, %dma_wait3A_20] : memref<4096x50x128xf32, #tpu.memory_space<hbm>> -> memref<8x50x128xf32, #tpu.memory_space<hbm>>
    %dma_wait3A_22 = arith.constant 0 : i32
    %dma_wait3A_23 = arith.constant 0 : i32
    %dma_wait3A_24 = arith.constant 0 : i32
    %dma_wait3A_25 = tpu.memref_slice %arg6[%dma_wait3A, %dma_wait3A_22, %dma_wait3A_23, %dma_wait3A_24] : memref<2x8x50x128xf32, #tpu.memory_space<vmem>> -> memref<1x8x50x128xf32, #tpu.memory_space<vmem>>
    %dma_wait3A_26 = tpu.memref_squeeze %dma_wait3A_25 : memref<1x8x50x128xf32, #tpu.memory_space<vmem>> -> memref<8x50x128xf32, #tpu.memory_space<vmem>>
    tpu.wait_dma2 semaphore(%arg8 : memref<!tpu.dma_semaphore, #tpu.memory_space<semaphore_mem>>) src(%dma_wait3A_26 : memref<8x50x128xf32, #tpu.memory_space<vmem>>) dst(%dma_wait3A_21 : memref<8x50x128xf32, #tpu.memory_space<hbm>>)
    %add3A_27 = arith.constant 120 : i32
    %add3A_28 = arith.addi %mul3A_2, %add3A_27 : i32
    %dma_wait3A_29 = arith.constant 1 : i32
    %dma_wait3A_30 = arith.constant 0 : i32
    %dma_wait3A_31 = arith.constant 0 : i32
    %dma_wait3A_32 = arith.constant 0 : i32
    %dma_wait3A_33 = tpu.memref_slice %arg6[%dma_wait3A_29, %dma_wait3A_30, %dma_wait3A_31, %dma_wait3A_32] : memref<2x8x50x128xf32, #tpu.memory_space<vmem>> -> memref<1x8x50x128xf32, #tpu.memory_space<vmem>>
    %dma_wait3A_34 = tpu.memref_squeeze %dma_wait3A_33 : memref<1x8x50x128xf32, #tpu.memory_space<vmem>> -> memref<8x50x128xf32, #tpu.memory_space<vmem>>
    %dma_wait3A_35 = arith.constant 0 : i32
    %dma_wait3A_36 = arith.constant 0 : i32
    %dma_wait3A_37 = tpu.memref_slice %arg4[%add3A_28, %dma_wait3A_35, %dma_wait3A_36] : memref<4096x50x128xf32, #tpu.memory_space<hbm>> -> memref<8x50x128xf32, #tpu.memory_space<hbm>>
    %dma_wait3A_38 = arith.constant 0 : i32
    %dma_wait3A_39 = arith.constant 0 : i32
    %dma_wait3A_40 = tpu.memref_slice %arg4[%add3A_28, %dma_wait3A_38, %dma_wait3A_39] : memref<4096x50x128xf32, #tpu.memory_space<hbm>> -> memref<8x50x128xf32, #tpu.memory_space<hbm>>
    %dma_wait3A_41 = arith.constant 0 : i32
    %dma_wait3A_42 = arith.constant 0 : i32
    %dma_wait3A_43 = arith.constant 0 : i32
    %dma_wait3A_44 = tpu.memref_slice %arg6[%dma_wait3A_29, %dma_wait3A_41, %dma_wait3A_42, %dma_wait3A_43] : memref<2x8x50x128xf32, #tpu.memory_space<vmem>> -> memref<1x8x50x128xf32, #tpu.memory_space<vmem>>
    %dma_wait3A_45 = tpu.memref_squeeze %dma_wait3A_44 : memref<1x8x50x128xf32, #tpu.memory_space<vmem>> -> memref<8x50x128xf32, #tpu.memory_space<vmem>>
    tpu.wait_dma2 semaphore(%arg9 : memref<!tpu.dma_semaphore, #tpu.memory_space<semaphore_mem>>) src(%dma_wait3A_45 : memref<8x50x128xf32, #tpu.memory_space<vmem>>) dst(%dma_wait3A_40 : memref<8x50x128xf32, #tpu.memory_space<hbm>>)
    return
  }
}

module attributes {stable_mosaic.version = 14 : i64} {
  func.func @_densify_block(%arg0: i32, %arg1: memref<64x16384xf32, #tpu.memory_space<vmem>>, %arg2: memref<16384x128xf32, #tpu.memory_space<vmem>>) attributes {dimension_semantics = [#tpu.dimension_semantics<arbitrary>], iteration_bounds = array<i64: 62>, scalar_prefetch = 0 : i64, scratch_operands = 0 : i64, tpu.core_type = #tpu.core_type<tc>, window_params = [{transform_indices = @transform_0, window_bounds = array<i64: 64, 16384>}, {transform_indices = @transform_1, window_bounds = array<i64: 16384, 128>}]} {
    %get3A = arith.constant 0 : index
    %get3A_0 = arith.constant 0 : index
    %get3A_1 = vector.load %arg1[%get3A, %get3A_0] : memref<64x16384xf32, #tpu.memory_space<vmem>>, vector<64x16384xf32>
    %transpose3A = tpu.transpose %get3A_1, [1, 0] : vector<64x16384xf32> -> vector<16384x64xf32>
    %swap3A = arith.constant 0 : index
    %swap3A_2 = arith.constant 0 : index
    %swap3A_3 = vector.load %arg2[%swap3A, %swap3A_2] : memref<16384x128xf32, #tpu.memory_space<vmem>>, vector<16384x64xf32>
    tpu.vector_store %arg2[%swap3A, %swap3A_2], %transpose3A {strides = array<i32>} : memref<16384x128xf32, #tpu.memory_space<vmem>>, vector<16384x64xf32>,
    return
  }
  func.func @transform_0(%arg0: i32) -> (i32, i32) {
    %c0_i32 = arith.constant 0 : i32
    %c0_i32_0 = arith.constant 0 : i32
    return %c0_i32, %arg0 : i32, i32
  }
  func.func @transform_1(%arg0: i32) -> (i32, i32) {
    %c0_i32 = arith.constant 0 : i32
    %c0_i32_0 = arith.constant 0 : i32
    return %arg0, %c0_i32 : i32, i32
  }
}

</mosaic_0001>

<sc_bundles>
// kernel: _gather_sc.4.cloned.1.call-start
scs
__scs_entry_jumppad:
0x0: {  	(pc) =	sbr.rel $0x88, $3  }
0x1: {  	(tag) =	ssettag $0x0;
	lr =	simm.s32 $0x1  }
0x2: {  	[smem:$0x3F9F] =	sst lr;
	_ =	strace $0xD0000000  }
0x3: {  	_ = 	snop  }
0x4: {  	_ = 	snop  }
0x5: {  	_ = 	snop  }
0x6: {  	_ = 	snop  }
0x7: {  	_ = 	snop  }
__scs_overlays_trampoline_lowered:
0x8: {  	[smem:$0x3FAE] =	sst s0  }
0x9: {  	[smem:$0x3FAF] =	sst s1  }
0xa: {  	[smem:$0x3FB0] =	sst s2  }
0xb: {  	[smem:$0x3FB1] =	sst s3  }
0xc: {  	[smem:$0x3FB2] =	sst s4  }
0xd: {  	[smem:$0x3FB3] =	sst s5  }
0xe: {  	[smem:$0x3FB4] =	sst s6  }
0xf: {  	[smem:$0x3FB5] =	sst s7  }
0x10: {  	[smem:$0x3FB6] =	sst s8  }
0x11: {  	[smem:$0x3FB7] =	sst s9;
	s0 =	simm.s32 @!p0 $0x0  }
0x12: {  	s1 =	sld [smem:$0x3F9D];
	s0 =	simm.s32 @p0 $0x1  }
0x13: {  	[smem:$0x3FB8] =	sst s0;
	s0 =	simm.s32 @!p1 $0x0  }
0x14: {  	s2 =	sld [smem:$0x3F9C];
	s0 =	simm.s32 @p1 $0x1  }
0x15: {  	[smem:$0x3FB9] =	sst s0;
	s0 =	simm.s32 @!p2 $0x0  }
0x16: {  	s3 =	sld [smem:$0x3FDB];
	s0 =	simm.s32 @p2 $0x1  }
0x17: {  	s4 =	simm.s32 $0x1BF5;
	[smem:$0x3FBB] =	sst s0  }
0x18: {  	s0 =	sld [smem:$0x3F9E];
	_ =	swait.ge [sflag:s4], $0x0  }
0x19: {  	s7 =	sld [smem:$0x3F9F]  }
0x1a: {  	s8 =	sadd.s32 $0xFFFFE003, lr  }
0x1b: {  	s9 =	sadd.s32 $0xFFFFFEF7, lr;
	s5 =	simm.s32 $0xFFFFFFFF;
	p2 =	slt.u32 s8, $0xFFFFF086  }
0x1c: {  	p1 =	slt.u32 s9, $0xF7A;
	s5 =	simm.s32 @!p2 $0x0  }
0x1d: {  	s5 =	simm.s32 @p1 $0x1;
	p0 =	seq.s32 s7, s2  }
0x1e: {  	s7 =	smul.u32 @!p0 $0xF7A, s2;
	p2 =	seq.s32 @!p0 s5, $0x0  }
0x1f: {  	s9 =	smul.u32 $0xF7A, s1;
	s8 =	simm.s32 @!p0 $0x1BF5;
	p2 =	por !p2, p0  }
0x20: {  	[sflag:s8] =	ssyncset.s32 @!p0 $0xFFFFF086;
	s6 =	sadd.s32 @!p0 s3, s7;
	s7 =	simm.s32 @!p0 $0x108  }
0x21: {  	s3 =	sadd.s32 s3, s9;
	s6 =	sadd.s32 @!p0 $0x88, s6;
	s7 =	simm.s32 @p2 $0x1082  }
0x22: {  	[simem:s7], [sflag:s8] =	dma.local @!p0 [hbm:s6], $0xF7A  }
0x23: {  	s9 =	sor.u32 $0xD0000000, s2;
	s6 =	simm.s32 $0x108;
	_ =	swait.ge @!p0 [sflag:s8], $0x0  }
0x24: {  	s3 =	sadd.s32 $0x88, s3;
	s6 =	simm.s32 @!p1 $0x1082;
	[sflag:s4] =	ssyncset.s32 $0xFFFFF086  }
0x25: {  	[simem:s6], [sflag:s4] =	dma.local [hbm:s3], $0xF7A  }
0x26: {  	[smem:$0x3F9F] =	sst s1;
	(tag) =	ssettag s2;
	_ =	strace s9  }
0x27: {  	s1 =	sld [smem:$0x3FAF]  }
0x28: {  	s2 =	sld [smem:$0x3FB0]  }
0x29: {  	s4 =	sld [smem:$0x3FB2]  }
0x2a: {  	p0 =	seq.s32 s5, $0x0;
	s5 =	sld [smem:$0x3FB3]  }
0x2b: {  	s6 =	sld [smem:$0x3FB4]  }
0x2c: {  	s7 =	sld [smem:$0x3FB5]  }
0x2d: {  	s3 =	simm.s32 $0x108;
	s8 =	sld [smem:$0x3FB6]  }
0x2e: {  	s3 =	simm.s32 @!p0 $0x1082;
	s9 =	sld [smem:$0x3FB7]  }
0x2f: {  	lr =	sadd.s32 s0, s3;
	s0 =	sld [smem:$0x3FAE]  }
0x30: {  	s3 =	sld [smem:$0x3FB1]  }
0x31: {  	[smem:$0x3FBA] =	sst s10  }
0x32: {  	s10 =	sld [smem:$0x3FB8];
	_ =	sdelay $0x3  }
0x33: {  	p0 =	seq.s32 s10, $0x1;
	s10 =	sld [smem:$0x3FBA];
	_ =	sdelay $0x3  }
0x34: {  	[smem:$0x3FBA] =	sst s10  }
0x35: {  	s10 =	sld [smem:$0x3FB9];
	_ =	sdelay $0x3  }
0x36: {  	p1 =	seq.s32 s10, $0x1;
	s10 =	sld [smem:$0x3FBA];
	_ =	sdelay $0x3  }
0x37: {  	[smem:$0x3FBA] =	sst s10  }
0x38: {  	s10 =	sld [smem:$0x3FBB]  }
0x39: {  	_ = 	snop;
	(pc) =	sbr.ind lr, $3  }
0x3a: {  	_ = 	snop  }
0x3b: {  	_ = 	snop  }
0x3c: {  	p2 =	seq.s32 s10, $0x1;
	s10 =	sld [smem:$0x3FBA]  }
0x3d: {  	_ =	shalt  }
0x3e: {  	_ =	shalt  }
0x3f: {  	_ =	shalt  }
0x40: {  	_ =	shalt  }
0x41: {  	_ =	shalt  }
0x42: {  	_ =	shalt  }
0x43: {  	_ =	shalt  }
0x44: {  	_ =	shalt  }
0x45: {  	_ =	shalt  }
0x46: {  	_ =	shalt  }
0x47: {  	_ =	shalt  }
0x48: {  	_ =	shalt  }
0x49: {  	_ =	shalt  }
0x4a: {  	_ =	shalt  }
0x4b: {  	_ =	shalt  }
0x4c: {  	_ =	shalt  }
0x4d: {  	_ =	shalt  }
0x4e: {  	_ =	shalt  }
0x4f: {  	_ =	shalt  }
0x50: {  	_ =	shalt  }
0x51: {  	_ =	shalt  }
0x52: {  	_ =	shalt  }
0x53: {  	_ =	shalt  }
0x54: {  	_ =	shalt  }
0x55: {  	_ =	shalt  }
0x56: {  	_ =	shalt  }
0x57: {  	_ =	shalt  }
0x58: {  	_ =	shalt  }
0x59: {  	_ =	shalt  }
0x5a: {  	_ =	shalt  }
0x5b: {  	_ =	shalt  }
0x5c: {  	_ =	shalt  }
0x5d: {  	_ =	shalt  }
0x5e: {  	_ =	shalt  }
0x5f: {  	_ =	shalt  }
0x60: {  	_ =	shalt  }
0x61: {  	_ =	shalt  }
0x62: {  	_ =	shalt  }
0x63: {  	_ =	shalt  }
0x64: {  	_ =	shalt  }
0x65: {  	_ =	shalt  }
0x66: {  	_ =	shalt  }
0x67: {  	_ =	shalt  }
0x68: {  	_ =	shalt  }
0x69: {  	_ =	shalt  }
0x6a: {  	_ =	shalt  }
0x6b: {  	_ =	shalt  }
0x6c: {  	_ =	shalt  }
0x6d: {  	_ =	shalt  }
0x6e: {  	_ =	shalt  }
0x6f: {  	_ =	shalt  }
0x70: {  	_ =	shalt  }
0x71: {  	_ =	shalt  }
0x72: {  	_ =	shalt  }
0x73: {  	_ =	shalt  }
0x74: {  	_ =	shalt  }
0x75: {  	_ =	shalt  }
0x76: {  	_ =	shalt  }
0x77: {  	_ =	shalt  }
0x78: {  	_ =	shalt  }
0x79: {  	_ =	shalt  }
0x7a: {  	_ =	shalt  }
0x7b: {  	_ =	shalt  }
0x7c: {  	_ =	shalt  }
0x7d: {  	_ =	shalt  }
0x7e: {  	_ =	shalt  }
0x7f: {  	_ =	shalt  }
0x80: {  	_ =	shalt  }
0x81: {  	_ =	shalt  }
0x82: {  	_ =	shalt  }
0x83: {  	_ =	shalt  }
0x84: {  	_ =	shalt  }
0x85: {  	_ =	shalt  }
0x86: {  	_ =	shalt  }
0x87: {  	_ =	shalt  }
.Lfunc_end0:
.L_simem_size_0:
called_computation.1_lowered:
.L_overlay_start_0:
0x88: {  	s2 =	sld [smem:$0x3FD9]  }
0x89: {  	s3 =	sld [smem:$0x3FFE];
	_ =	sdelay $0x1  }
0x8a: {  	s1 =	srdreg.scid  }
0x8b: {  	s0 =	sand.u32 $0x1, s1  }
0x8c: {  	s17 =	sshll.u32 s0, $0xA;
	s2 =	sadd.s32 s3, s2  }
0x8d: {  	s2 =	sadd.s32 s2, s17  }
0x8e: {  	[smem:$0x3FC6] =	sst s2  }
0x8f: {  	_ = 	snop  }
0x90: {  	s2 =	sld [smem:$0x3FD0];
	(tm) =	ssettm $0x1  }
0x91: {  	s18 =	sld [smem:$0x3FFB];
	_ =	sdelay $0x3  }
0x92: {  	_ =	strace s18  }
0x93: {  	s3 =	sld [smem:$0x3FFC];
	_ =	sdelay $0x3  }
0x94: {  	_ =	strace s3  }
0x95: {  	s3 =	sld [smem:$0x3FFD];
	_ =	sdelay $0x3  }
0x96: {  	_ =	strace s3  }
0x97: {  	_ =	strace $0x8FFFFFFF  }
0x98: {  	s19 =	sld [smem:$0x3FDB];
	_ =	sdelay $0x1  }
0x99: {  	s4 =	simm.s32 $_scs_section_size  }
0x9a: {  	s5 =	simm.s32 $_size__tile_overlayer_lowered;
	s6 =	simm.s32 $_tile_overlayer_lowered  }
0x9b: {  	s22 =	simm.s32 $0x1BFF;
	s21 =	sshll.u32 s6, $0x1;
	s3 =	sadd.s32 s4, s19  }
0x9c: {  	s7 =	simm.s32 $0x0;
	s20 =	sshll.u32 s5, $0x1;
	s5 =	sadd.s32 s21, s3  }
0x9d: {  	[timem:s7], [sflag:s22] =	dma.local [hbm:s5], s20  }
0x9e: {  	_ =	swait.ge [sflag:s22], s20  }
0x9f: {  	s4 =	ssub.s32 $0x0, s20;
	[sflag:s22] =	ssyncset.done $0x0  }
0xa0: {  	[sflag:s22] =	ssyncadd.s32 s4;
	_ =	sdelay $0x1  }
0xa1: {  	s23 =	simm.s32 $0x1B8B  }
0xa2: {  	_ =	swait.ge [sflag:s23], $0x1  }
0xa3: {  	[sflag:s23] =	ssyncset.done $0x0  }
0xa4: {  	s25 =	simm.s32 $0x1B8E;
	s24 =	sld [smem:$0x3FFE];
	[sflag:s23] =	ssyncadd.s32 $0xFFFFFFFF  }
0xa5: {  	s26 =	simm.s32 $execute0_lowered;
	[smem:$0x3FD2] =	sst s25  }
0xa6: {  	s5 =	sshll.u32 s26, $0x1;
	_ =	strace $0x80000046;
	[dreg:$0x1] =	wrdreg $0xFFFFFFFF  }
0xa7: {  	s28 =	simm.s32 $_size_execute0_lowered;
	s3 =	sadd.s32 s3, s5;
	[dreg:$0x0] =	wrdreg $0x0  }
0xa8: {  	s5 =	sshll.u32 s28, $0x1;
	[dreg:$0x2] =	wrdreg s3  }
0xa9: {  	[dreg:$0x3] =	wrdreg s5  }
0xaa: {  	[dreg:$0x4] =	wrdreg $0xC0  }
0xab: {  	_ =	task [dreg:s7], $0x5FFFF  }
0xac: {  	[dreg:$0x1] =	wrdreg $0xFFFFFFFF  }
0xad: {  	[dreg:$0x0] =	wrdreg $0x60  }
0xae: {  	[dreg:$0x2] =	wrdreg s2  }
0xaf: {  	[dreg:$0x3] =	wrdreg s24  }
0xb0: {  	[dreg:$0x4] =	wrdreg $0x9  }
0xb1: {  	_ =	task.clear_ibuf [dreg:s7], $0x5FFFF;
	_ =	strace $0x90000046  }
0xb2: {  	s29 =	simm.s32 $0x9;
	_ =	strace $0x80000048  }
0xb3: {  	_ =	swait.ge [sflag:s29], $0x1  }
0xb4: {  	[sflag:s29] =	ssyncadd.s32 $0xFFFFFFFF  }
0xb5: {  	_ =	strace $0x90000048  }
0xb6: {  	_ =	sfence  }
0xb7: {  	s30 =	sld [smem:$0x0];
	_ =	sdelay $0x2  }
0xb8: {  	s31 =	sshll.u32 s1, $0xD;
	s1 =	sshrl.u32 s1, $0x2  }
0xb9: {  	s3 =	sand.u32 $0x4000, s31;
	s1 =	sadd.s32 s1, s30  }
0xba: {  	s0 =	sor.u32 s3, s0;
	s1 =	sshll.u32 s1, $0x11  }
0xbb: {  	s0 =	sor.u32 s1, s0  }
0xbc: {  	s0 =	sadd.s32 $0x8F2B, s0  }
0xbd: {  	[sflag:s0] =	ssyncadd.remote.s32 $0x1  }
0xbe: {  	_ =	sfence.sel $0xFFFF  }
0xbf: {  	[dreg:$0x0] =	wrdreg $0xFFFFFFFF;
	(pc) =	sbr.abs _section_cstart, $3  }
0xc0: {  	[dreg:$0x1] =	wrdreg $0xFFFFFFFF  }
0xc1: {  	_ =	task.clear_ibuf [dreg:s7], $0x2FFFF;
	_ =	strace $0x9FFFFFFF  }
0xc2: {  	(tm) =	ssettm $0x7FFFFFFF  }
0xc3: {  	_ =	shalt  }
tec
execute0_lowered:
.L_overlay_start_1:
0x0: {  	(tag) =	ssettag $0x1  }
0x1: {  	s0 =	rddreg [dreg:$0x0]  }
0x2: {  	s4 =	rddreg [dreg:$0x1];
	s2 =	simm.s32 $0x0;
	s3 =	srdreg.scid  }
0x3: {  	s1 =	stileid.u32;
	s10 =	simm.s32 $0x13C00;
	s11 =	simm.s32 $0x15800  }
0x4: {  	s12 =	simm.s32 $0x17400;
	s13 =	simm.s32 $0x19000;
	s14 =	simm.s32 $0x1AC00  }
0x5: {  	s15 =	simm.s32 $0x1C800;
	s16 =	simm.s32 $0x1E400;
	s17 =	simm.s32 $0x1  }
0x6: {  	s18 =	simm.s32 $0x2;
	s19 =	simm.s32 $0x3;
	s20 =	simm.s32 $0x4000  }
0x7: {  	s21 =	simm.s32 $0x5C00;
	s22 =	simm.s32 $0x7800;
	s23 =	simm.s32 $0x9400  }
0x8: {  	s24 =	simm.s32 $0xB000;
	s25 =	simm.s32 $0xCC00;
	s26 =	simm.s32 $0xE800  }
0x9: {  	s28 =	simm.s32 $0x10400;
	s29 =	simm.s32 $0x0;
	[smem:$0x7FF] =	sst s2  }
0xa: {  	s5 =	sand.u32 $0x1, s3;
	s3 =	sadd.s32 $0x800, s4;
	s6 =	smul.u32 $0x38000, s1  }
0xb: {  	s7 =	ssub.s32 $0x2, s5;
	s9 =	sshll.u32 s5, $0xB;
	s5 =	smul.u32 $0x1C000, s5  }
.Ltmp0:
0xc: {  	s8 =	sshll.u32 s1, $0xC;
	_ =	strace $0x80000047;
	(pc) =	sbr.rel .LBB2_1-.Ltmp0, $4  }
0xd: {  	s6 =	sadd.s32 s6, s4;
	s30 =	sshrl.u32 s7, $0x1;
	s8 =	sor.u32 s9, s8  }
0xe: {  	s9 =	simm.s32 $0x12000;
	s7 =	ssub.s32 s7, s30;
	s0 =	sadd.s32 s0, s8  }
0xf: {  	s31 =	sadd.s32 s5, s6;
	s8 =	simm.s32 $0x32;
	[dreg:$0x3] =	wrdreg s0  }
0x10: {  	s5 =	smax.u32 s7, $0x1;
	s6 =	sadd.s32 $0xF80800, s31;
	s7 =	simm.s32 $0x4  }
.LBB2_6:
0x11: {  	s29 =	sadd.s32 $0x1, s29  }
0x12: {  	_ =	swait.ge [sflag:s18], $0xC800;
	p0 =	sne.s32 s29, s5  }
.Ltmp1:
0x13: {  	[sflag:s18] =	ssyncset.done $0x0;
	(pc) =	sbr.rel @!p0 .LBB2_7-.Ltmp1, $4  }
0x14: {  	[sflag:s18] =	ssyncadd.s32 $0xFFFF3800  }
0x15: {  	_ =	swait.ge [sflag:s19], $0xC800  }
0x16: {  	[sflag:s19] =	ssyncset.done $0x0  }
0x17: {  	[sflag:s19] =	ssyncadd.s32 $0xFFFF3800  }
.LBB2_1:
.Ltmp2:
0x18: {  	s0 =	rddreg [dreg:$0x3];
	(pc) =	sbr.rel .LBB2_2-.Ltmp2, $4  }
0x19: {  	[tilespmem:s2], [sflag:$0x4] =	stream.linear.gather [hbm4b:s0+s2], $0x4000, $0x38;
	v63 =	vld [tilespmem:$0x0]  }
0x1a: {  	_ =	swait.ge [sflag:s7], $0x4000  }
0x1b: {  	s30 =	smov.u32 s6;
	[sflag:s7] =	ssyncset.done $0x0  }
0x1c: {  	s31 =	simm.s32 $0x0;
	s0 =	simm.s32 $0x0;
	[sflag:s7] =	ssyncadd.s32 $0xFFFFC000  }
.LBB2_4:
0x1d: {  	s1 =	simm.s32 @!p0 $0x3  }
0x1e: {  	_ =	swait.ge @!p0 [sflag:s1], $0xC800  }
0x1f: {  	[sflag:s1] =	ssyncset.done @!p0 $0x0  }
0x20: {  	[sflag:s1] =	ssyncadd.s32 @!p0 $0xFFFF3800;
	s1 =	sshra.s32 s31, $0x2  }
0x21: {  	[tilespmem:s9], [sflag:$0x1] =	stream.indirect.gather [hbm4b:s3+s8], $0x80, s1, s8, $0xb8;
	v63 =	vld [tilespmem:$0x0]  }
0x22: {  	s4 =	sadd.s32 $0x80, s1  }
0x23: {  	[tilespmem:s10], [sflag:$0x1] =	stream.indirect.gather [hbm4b:s3+s8], $0x80, s4, s8, $0xb8;
	v63 =	vld [tilespmem:$0x0]  }
0x24: {  	s4 =	sadd.s32 $0x100, s1  }
0x25: {  	[tilespmem:s11], [sflag:$0x1] =	stream.indirect.gather [hbm4b:s3+s8], $0x80, s4, s8, $0xb8;
	v63 =	vld [tilespmem:$0x0]  }
0x26: {  	s4 =	sadd.s32 $0x180, s1  }
0x27: {  	[tilespmem:s12], [sflag:$0x1] =	stream.indirect.gather [hbm4b:s3+s8], $0x80, s4, s8, $0xb8;
	v63 =	vld [tilespmem:$0x0]  }
0x28: {  	s4 =	sadd.s32 $0x200, s1  }
0x29: {  	[tilespmem:s13], [sflag:$0x1] =	stream.indirect.gather [hbm4b:s3+s8], $0x80, s4, s8, $0xb8;
	v63 =	vld [tilespmem:$0x0]  }
0x2a: {  	s4 =	sadd.s32 $0x280, s1  }
0x2b: {  	[tilespmem:s14], [sflag:$0x1] =	stream.indirect.gather [hbm4b:s3+s8], $0x80, s4, s8, $0xb8;
	v63 =	vld [tilespmem:$0x0]  }
0x2c: {  	s4 =	sadd.s32 $0x300, s1  }
0x2d: {  	[tilespmem:s15], [sflag:$0x1] =	stream.indirect.gather [hbm4b:s3+s8], $0x80, s4, s8, $0xb8;
	v63 =	vld [tilespmem:$0x0]  }
0x2e: {  	s1 =	sadd.s32 $0x380, s1  }
0x2f: {  	[tilespmem:s16], [sflag:$0x1] =	stream.indirect.gather [hbm4b:s3+s8], $0x80, s1, s8, $0xb8;
	v63 =	vld [tilespmem:$0x0]  }
0x30: {  	_ =	swait.ge [sflag:s17], $0x1900  }
0x31: {  	[sflag:s17] =	ssyncset.done $0x0  }
0x32: {  	[sflag:s17] =	ssyncadd.s32 $0xFFFFE700  }
0x33: {  	_ =	swait.ge [sflag:s17], $0x1900  }
0x34: {  	[sflag:s17] =	ssyncset.done $0x0  }
0x35: {  	[sflag:s17] =	ssyncadd.s32 $0xFFFFE700  }
0x36: {  	_ =	swait.ge [sflag:s17], $0x1900  }
0x37: {  	[sflag:s17] =	ssyncset.done $0x0  }
0x38: {  	[sflag:s17] =	ssyncadd.s32 $0xFFFFE700  }
0x39: {  	_ =	swait.ge [sflag:s17], $0x1900  }
0x3a: {  	[sflag:s17] =	ssyncset.done $0x0  }
0x3b: {  	[sflag:s17] =	ssyncadd.s32 $0xFFFFE700  }
0x3c: {  	_ =	swait.ge [sflag:s17], $0x1900  }
0x3d: {  	[sflag:s17] =	ssyncset.done $0x0  }
0x3e: {  	[sflag:s17] =	ssyncadd.s32 $0xFFFFE700  }
0x3f: {  	_ =	swait.ge [sflag:s17], $0x1900  }
0x40: {  	[sflag:s17] =	ssyncset.done $0x0  }
0x41: {  	[sflag:s17] =	ssyncadd.s32 $0xFFFFE700  }
0x42: {  	_ =	swait.ge [sflag:s17], $0x1900  }
0x43: {  	[sflag:s17] =	ssyncset.done $0x0  }
0x44: {  	[sflag:s17] =	ssyncadd.s32 $0xFFFFE700  }
0x45: {  	_ =	swait.ge [sflag:s17], $0x1900  }
0x46: {  	[sflag:s17] =	ssyncset.done $0x0  }
0x47: {  	[sflag:s17] =	ssyncadd.s32 $0xFFFFE700  }
0x48: {  	[hbm4b:s30+s2] =	stream.linear.scatter [tilespmem:s9], [sflag:$0x3], $0x1900, $0x38;
	v63 =	vld [tilespmem:$0x0]  }
0x49: {  	s4 =	sadd.s32 $0x380, s30  }
0x4a: {  	[hbm4b:s4+s2] =	stream.linear.scatter [tilespmem:s10], [sflag:$0x3], $0x1900, $0x38;
	v63 =	vld [tilespmem:$0x0]  }
0x4b: {  	s4 =	sadd.s32 $0x700, s30  }
0x4c: {  	[hbm4b:s4+s2] =	stream.linear.scatter [tilespmem:s11], [sflag:$0x3], $0x1900, $0x38;
	v63 =	vld [tilespmem:$0x0]  }
0x4d: {  	s4 =	sadd.s32 $0xA80, s30  }
0x4e: {  	[hbm4b:s4+s2] =	stream.linear.scatter [tilespmem:s12], [sflag:$0x3], $0x1900, $0x38;
	v63 =	vld [tilespmem:$0x0]  }
0x4f: {  	s4 =	sadd.s32 $0xE00, s30  }
0x50: {  	[hbm4b:s4+s2] =	stream.linear.scatter [tilespmem:s13], [sflag:$0x3], $0x1900, $0x38;
	v63 =	vld [tilespmem:$0x0]  }
0x51: {  	s4 =	sadd.s32 $0x1180, s30  }
0x52: {  	[hbm4b:s4+s2] =	stream.linear.scatter [tilespmem:s14], [sflag:$0x3], $0x1900, $0x38;
	v63 =	vld [tilespmem:$0x0]  }
0x53: {  	s4 =	sadd.s32 $0x1500, s30  }
0x54: {  	[hbm4b:s4+s2] =	stream.linear.scatter [tilespmem:s15], [sflag:$0x3], $0x1900, $0x38;
	v63 =	vld [tilespmem:$0x0]  }
0x55: {  	s4 =	sadd.s32 $0x1880, s30  }
0x56: {  	[hbm4b:s4+s2] =	stream.linear.scatter [tilespmem:s16], [sflag:$0x3], $0x1900, $0x38;
	v63 =	vld [tilespmem:$0x0]  }
.LBB2_5:
0x57: {  	s31 =	sadd.s32 $0x1000, s31  }
0x58: {  	p0 =	sne.s32 s31, $0x10000  }
.Ltmp3:
0x59: {  	_ = 	snop;
	(pc) =	sbr.rel @!p0 .LBB2_6-.Ltmp3, $2  }
0x5a: {  	_ =	sdelay $0x2  }
0x5b: {  	s0 =	sadd.s32 $0x1, s0;
	s30 =	sadd.s32 $0x1C00, s30  }
.LBB2_2:
0x5c: {  	s1 =	sand.u32 $0x1, s0  }
0x5d: {  	p1 =	seq.s32 s1, $0x1  }
.Ltmp4:
0x5e: {  	_ = 	snop;
	(pc) =	sbr.rel @p1 .LBB2_4-.Ltmp4, $2  }
0x5f: {  	_ =	sdelay $0x2  }
0x60: {  	p0 =	slt.u32 s0, $0x2  }
0x61: {  	s1 =	simm.s32 @!p0 $0x2  }
0x62: {  	_ =	swait.ge @!p0 [sflag:s1], $0xC800  }
0x63: {  	[sflag:s1] =	ssyncset.done @!p0 $0x0  }
0x64: {  	[sflag:s1] =	ssyncadd.s32 @!p0 $0xFFFF3800;
	s1 =	sshra.s32 s31, $0x2  }
0x65: {  	[tilespmem:s20], [sflag:$0x1] =	stream.indirect.gather [hbm4b:s3+s8], $0x80, s1, s8, $0xb8;
	v63 =	vld [tilespmem:$0x0]  }
0x66: {  	s4 =	sadd.s32 $0x80, s1  }
0x67: {  	[tilespmem:s21], [sflag:$0x1] =	stream.indirect.gather [hbm4b:s3+s8], $0x80, s4, s8, $0xb8;
	v63 =	vld [tilespmem:$0x0]  }
0x68: {  	s4 =	sadd.s32 $0x100, s1  }
0x69: {  	[tilespmem:s22], [sflag:$0x1] =	stream.indirect.gather [hbm4b:s3+s8], $0x80, s4, s8, $0xb8;
	v63 =	vld [tilespmem:$0x0]  }
0x6a: {  	s4 =	sadd.s32 $0x180, s1  }
0x6b: {  	[tilespmem:s23], [sflag:$0x1] =	stream.indirect.gather [hbm4b:s3+s8], $0x80, s4, s8, $0xb8;
	v63 =	vld [tilespmem:$0x0]  }
0x6c: {  	s4 =	sadd.s32 $0x200, s1  }
0x6d: {  	[tilespmem:s24], [sflag:$0x1] =	stream.indirect.gather [hbm4b:s3+s8], $0x80, s4, s8, $0xb8;
	v63 =	vld [tilespmem:$0x0]  }
0x6e: {  	s4 =	sadd.s32 $0x280, s1  }
0x6f: {  	[tilespmem:s25], [sflag:$0x1] =	stream.indirect.gather [hbm4b:s3+s8], $0x80, s4, s8, $0xb8;
	v63 =	vld [tilespmem:$0x0]  }
0x70: {  	s4 =	sadd.s32 $0x300, s1  }
0x71: {  	[tilespmem:s26], [sflag:$0x1] =	stream.indirect.gather [hbm4b:s3+s8], $0x80, s4, s8, $0xb8;
	v63 =	vld [tilespmem:$0x0]  }
0x72: {  	s1 =	sadd.s32 $0x380, s1  }
0x73: {  	[tilespmem:s28], [sflag:$0x1] =	stream.indirect.gather [hbm4b:s3+s8], $0x80, s1, s8, $0xb8;
	v63 =	vld [tilespmem:$0x0]  }
0x74: {  	_ =	swait.ge [sflag:s17], $0x1900  }
0x75: {  	[sflag:s17] =	ssyncset.done $0x0  }
0x76: {  	[sflag:s17] =	ssyncadd.s32 $0xFFFFE700  }
0x77: {  	_ =	swait.ge [sflag:s17], $0x1900  }
0x78: {  	[sflag:s17] =	ssyncset.done $0x0  }
0x79: {  	[sflag:s17] =	ssyncadd.s32 $0xFFFFE700  }
0x7a: {  	_ =	swait.ge [sflag:s17], $0x1900  }
0x7b: {  	[sflag:s17] =	ssyncset.done $0x0  }
0x7c: {  	[sflag:s17] =	ssyncadd.s32 $0xFFFFE700  }
0x7d: {  	_ =	swait.ge [sflag:s17], $0x1900  }
0x7e: {  	[sflag:s17] =	ssyncset.done $0x0  }
0x7f: {  	[sflag:s17] =	ssyncadd.s32 $0xFFFFE700  }
0x80: {  	_ =	swait.ge [sflag:s17], $0x1900  }
0x81: {  	[sflag:s17] =	ssyncset.done $0x0  }
0x82: {  	[sflag:s17] =	ssyncadd.s32 $0xFFFFE700  }
0x83: {  	_ =	swait.ge [sflag:s17], $0x1900  }
0x84: {  	[sflag:s17] =	ssyncset.done $0x0  }
0x85: {  	[sflag:s17] =	ssyncadd.s32 $0xFFFFE700  }
0x86: {  	_ =	swait.ge [sflag:s17], $0x1900  }
0x87: {  	[sflag:s17] =	ssyncset.done $0x0  }
0x88: {  	[sflag:s17] =	ssyncadd.s32 $0xFFFFE700  }
0x89: {  	_ =	swait.ge [sflag:s17], $0x1900  }
0x8a: {  	[sflag:s17] =	ssyncset.done $0x0  }
0x8b: {  	[sflag:s17] =	ssyncadd.s32 $0xFFFFE700  }
0x8c: {  	[hbm4b:s30+s2] =	stream.linear.scatter [tilespmem:s20], [sflag:$0x2], $0x1900, $0x38;
	v63 =	vld [tilespmem:$0x0]  }
0x8d: {  	s4 =	sadd.s32 $0x380, s30  }
0x8e: {  	[hbm4b:s4+s2] =	stream.linear.scatter [tilespmem:s21], [sflag:$0x2], $0x1900, $0x38;
	v63 =	vld [tilespmem:$0x0]  }
0x8f: {  	s4 =	sadd.s32 $0x700, s30  }
0x90: {  	[hbm4b:s4+s2] =	stream.linear.scatter [tilespmem:s22], [sflag:$0x2], $0x1900, $0x38;
	v63 =	vld [tilespmem:$0x0]  }
0x91: {  	s4 =	sadd.s32 $0xA80, s30  }
0x92: {  	[hbm4b:s4+s2] =	stream.linear.scatter [tilespmem:s23], [sflag:$0x2], $0x1900, $0x38;
	v63 =	vld [tilespmem:$0x0]  }
0x93: {  	s4 =	sadd.s32 $0xE00, s30  }
0x94: {  	[hbm4b:s4+s2] =	stream.linear.scatter [tilespmem:s24], [sflag:$0x2], $0x1900, $0x38;
	v63 =	vld [tilespmem:$0x0]  }
0x95: {  	s4 =	sadd.s32 $0x1180, s30  }
0x96: {  	[hbm4b:s4+s2] =	stream.linear.scatter [tilespmem:s25], [sflag:$0x2], $0x1900, $0x38;
	v63 =	vld [tilespmem:$0x0]  }
.Ltmp5:
0x97: {  	_ = 	snop;
	(pc) =	sbr.rel .LBB2_5-.Ltmp5, $4  }
0x98: {  	s4 =	sadd.s32 $0x1500, s30  }
0x99: {  	[hbm4b:s4+s2] =	stream.linear.scatter [tilespmem:s26], [sflag:$0x2], $0x1900, $0x38;
	v63 =	vld [tilespmem:$0x0]  }
0x9a: {  	s4 =	sadd.s32 $0x1880, s30  }
0x9b: {  	[hbm4b:s4+s2] =	stream.linear.scatter [tilespmem:s28], [sflag:$0x2], $0x1900, $0x38;
	v63 =	vld [tilespmem:$0x0]  }
.LBB2_7:
0x9c: {  	_ =	sfence.sel $0x180000  }
0x9d: {  	[bflag:$0x0] =	sbarrier.arrive $0xFFFF  }
0x9e: {  	_ =	strace $0x90000047  }
0x9f: {  	s0 =	stileid.u32;
	[bflag:$0x2] =	sbarrier.arrive $0xFFFF  }
0xa0: {  	p0 =	sne.s32 s0, $0x0;
	s0 =	rddreg [dreg:$0x2]  }
0xa1: {  	s0 =	sadd.s32 @!p0 $0x100000, s0  }
0xa2: {  	[sflag:s0] =	ssyncadd.tile.s32 @!p0 $0x1;
	_ =	shalt  }
.Lfunc_end2:
_tile_overlayer_lowered:
.L_overlay_start_2:
0xa3: {  	(tag) =	ssettag $0x2  }
0xa4: {  	s0 =	rddreg [dreg:$0x0];
	s2 =	stileid.u32  }
0xa5: {  	s1 =	rddreg [dreg:$0x1];
	p0 =	sne.s32 s2, $0x0  }
0xa6: {  	s3 =	rddreg [dreg:$0x2];
	[bflag:$0x3] =	sbarrier.arrive $0xFFFF;
	s2 =	simm.s32 @!p0 $0x1C04  }
0xa7: {  	[timem:s3], [sflag:s2] =	dma.local @!p0 [hbm:s0], s1  }
0xa8: {  	s0 =	simm.s32 @!p0 $0x4  }
0xa9: {  	_ =	swait.ge @!p0 [sflag:s0], s1  }
0xaa: {  	s1 =	ssub.s32 @!p0 $0x0, s1;
	[sflag:s0] =	ssyncset.done @!p0 $0x0  }
0xab: {  	[sflag:s0] =	ssyncadd.s32 @!p0 s1  }
0xac: {  	[bflag:$0x3] =	sbarrier.arrive $0xFFFF  }
0xad: {  	_ =	shalt  }

// kernel: sparse-core-data-format-call.cloned.1.call-start
scs
called_computation_lowered:
.L_overlay_start_0:
0x0: {  	s2 =	sld [smem:$0x3FD9]  }
0x1: {  	s3 =	sld [smem:$0x3FFE];
	_ =	sdelay $0x1  }
0x2: {  	s1 =	srdreg.scid  }
0x3: {  	s0 =	sand.u32 $0x1, s1  }
0x4: {  	s18 =	sshll.u32 s0, $0xA;
	s2 =	sadd.s32 s3, s2  }
0x5: {  	s2 =	sadd.s32 s2, s18  }
0x6: {  	[smem:$0x3FC6] =	sst s2  }
0x7: {  	_ = 	snop  }
0x8: {  	s2 =	sld [smem:$0x3FD0];
	(tm) =	ssettm $0x1  }
0x9: {  	s19 =	sld [smem:$0x3FFB];
	_ =	sdelay $0x3  }
0xa: {  	_ =	strace s19  }
0xb: {  	s3 =	sld [smem:$0x3FFC];
	_ =	sdelay $0x3  }
0xc: {  	_ =	strace s3  }
0xd: {  	s3 =	sld [smem:$0x3FFD];
	_ =	sdelay $0x3  }
0xe: {  	_ =	strace s3  }
0xf: {  	_ =	strace $0x8FFFFFFF  }
0x10: {  	s20 =	sld [smem:$0x3FDB];
	_ =	sdelay $0x1  }
0x11: {  	s4 =	simm.s32 $_scs_section_size  }
0x12: {  	s5 =	simm.s32 $_size__tile_overlayer_lowered;
	s6 =	simm.s32 $_tile_overlayer_lowered  }
0x13: {  	s23 =	simm.s32 $0x1BFF;
	s22 =	sshll.u32 s6, $0x1;
	s3 =	sadd.s32 s4, s20  }
0x14: {  	s7 =	simm.s32 $0x0;
	s21 =	sshll.u32 s5, $0x1;
	s5 =	sadd.s32 s22, s3  }
0x15: {  	[timem:s7], [sflag:s23] =	dma.local [hbm:s5], s21  }
0x16: {  	_ =	swait.ge [sflag:s23], s21  }
0x17: {  	s4 =	ssub.s32 $0x0, s21;
	[sflag:s23] =	ssyncset.done $0x0  }
0x18: {  	[sflag:s23] =	ssyncadd.s32 s4;
	_ =	sdelay $0x1  }
0x19: {  	s24 =	simm.s32 $0x1B8B  }
0x1a: {  	_ =	swait.ge [sflag:s24], $0x1  }
0x1b: {  	[sflag:s24] =	ssyncset.done $0x0  }
0x1c: {  	s26 =	simm.s32 $0x1B8E;
	s25 =	sld [smem:$0x3FFE];
	[sflag:s24] =	ssyncadd.s32 $0xFFFFFFFF  }
0x1d: {  	s27 =	simm.s32 $execute0_lowered;
	[smem:$0x3FD2] =	sst s26  }
0x1e: {  	s5 =	sshll.u32 s27, $0x1;
	_ =	strace $0x80000049;
	[dreg:$0x1] =	wrdreg $0xFFFFFFFF  }
0x1f: {  	s28 =	simm.s32 $_size_execute0_lowered;
	s3 =	sadd.s32 s3, s5;
	[dreg:$0x0] =	wrdreg $0x0  }
0x20: {  	s5 =	sshll.u32 s28, $0x1;
	[dreg:$0x2] =	wrdreg s3  }
0x21: {  	[dreg:$0x3] =	wrdreg s5  }
0x22: {  	[dreg:$0x4] =	wrdreg $0xC0  }
0x23: {  	_ =	task [dreg:s7], $0x5FFFF  }
0x24: {  	[dreg:$0x1] =	wrdreg $0xFFFFFFFF  }
0x25: {  	[dreg:$0x0] =	wrdreg $0x60  }
0x26: {  	[dreg:$0x2] =	wrdreg s25  }
0x27: {  	[dreg:$0x3] =	wrdreg s2  }
0x28: {  	[dreg:$0x4] =	wrdreg $0x9  }
0x29: {  	_ =	task.clear_ibuf [dreg:s7], $0x5FFFF;
	_ =	strace $0x90000049  }
0x2a: {  	s29 =	simm.s32 $0x9;
	_ =	strace $0x8000004B  }
0x2b: {  	_ =	swait.ge [sflag:s29], $0x1  }
0x2c: {  	[sflag:s29] =	ssyncadd.s32 $0xFFFFFFFF  }
0x2d: {  	_ =	strace $0x9000004B  }
0x2e: {  	_ =	sfence  }
0x2f: {  	s30 =	sld [smem:$0x0];
	_ =	sdelay $0x2  }
0x30: {  	s31 =	sshll.u32 s1, $0xD;
	s1 =	sshrl.u32 s1, $0x2  }
0x31: {  	s3 =	sand.u32 $0x4000, s31;
	s1 =	sadd.s32 s1, s30  }
0x32: {  	s0 =	sor.u32 s3, s0;
	s1 =	sshll.u32 s1, $0x11  }
0x33: {  	s0 =	sor.u32 s1, s0  }
0x34: {  	s0 =	sadd.s32 $0x8F2B, s0  }
0x35: {  	[sflag:s0] =	ssyncadd.remote.s32 $0x1  }
0x36: {  	_ =	sfence.sel $0xFFFF  }
0x37: {  	[dreg:$0x0] =	wrdreg $0xFFFFFFFF;
	(pc) =	sbr.abs _section_cstart, $3  }
0x38: {  	[dreg:$0x1] =	wrdreg $0xFFFFFFFF  }
0x39: {  	_ =	task.clear_ibuf [dreg:s7], $0x2FFFF;
	_ =	strace $0x9FFFFFFF  }
0x3a: {  	(tm) =	ssettm $0x7FFFFFFF  }
0x3b: {  	_ =	shalt  }
tec
execute0_lowered:
.L_overlay_start_1:
0x0: {  	(tag) =	ssettag $0x1  }
0x1: {  	s0 =	srdreg.scid  }
0x2: {  	s1 =	sshll.u32 s0, $0x4  }
0x3: {  	s0 =	stileid.u32;
	s1 =	sand.u32 $0x10, s1  }
0x4: {  	s1 =	sor.u32 s0, s1  }
0x5: {  	s6 =	rddreg [dreg:$0x0];
	s4 =	simm.s32 $0x1;
	s2 =	sshll.u32 s1, $0x7  }
0x6: {  	s7 =	simm.s32 $0x2;
	s12 =	simm.s32 $0x0;
	s1 =	ssub.s32 $0x1000, s2  }
0x7: {  	s8 =	simm.s32 $0x8000;
	s13 =	simm.s32 $0x0;
	s3 =	sand.u32 $0xF80, s1  }
0x8: {  	s9 =	simm.s32 $0x0;
	s5 =	sshrl.u32 s1, $0xC;
	p0 =	sne.s32 s3, $0x0  }
.Ltmp0:
0x9: {  	s1 =	rddreg [dreg:$0x2];
	s4 =	simm.s32 @!p0 $0x0;
	(pc) =	sbr.rel .LBB1_1-.Ltmp0, $4  }
0xa: {  	s11 =	simm.s32 $0x0;
	s3 =	rddreg [dreg:$0x1];
	s5 =	sadd.s32 s4, s5  }
0xb: {  	_ =	strace $0x8000004A;
	s4 =	simm.s32 $0x1;
	s5 =	smul.u32 $0x32, s5  }
0xc: {  	s6 =	sadd.s32 $0xF80800, s6;
	s10 =	smov.u32 s2;
	[sflag:s4] =	ssyncpa.u1 $0x0  }
0xd: {  	p0 =	por $0x0, $0x0;
	[sflag:s7] =	ssyncpa.u1 $0x0;
	s7 =	sor.u32 $0x1, s5  }
.LBB1_4:
0xe: {  	s16 =	sshll.u32 s13, $0x3;
	s17 =	sand.u32 $0x78, s13  }
0xf: {  	s30 =	sand.u32 $0x7E00, s13;
	s12 =	sshll.u32 s12, $0xF;
	s16 =	sand.u32 $0xC00, s16  }
0x10: {  	[tilespmem:s15+$0x810 ss:$0x81] =	vst.msk $0xffff, v2;
	s31 =	sand.u32 $0x7, s13;
	s16 =	sor.u32 s17, s16;
	s17 =	sadd.s32 s3, s30  }
0x11: {  	[tilespmem:s15+$0x1020 ss:$0x81] =	vst.msk $0xffff, v0;
	s13 =	sshll.u32 s31, $0x12;
	s12 =	sadd.s32 s12, s17;
	s16 =	sshrl.u32 s16, $0x3  }
0x12: {  	[tilespmem:s15+$0x0 ss:$0x81] =	vst.msk $0xffff, v1;
	s13 =	sor.u32 $0x400, s13;
	s12 =	sadd.s32 s16, s12  }
0x13: {  	[hbm4b:s12+s13] =	stream.strided.scatter [tilespmem:s14], [sflag:$0x2], $0x2000, s8, s13, $0x20;
	[tilespmem:$0x8080] =	vst v63  }
.LBB1_5:
0x14: {  	s14 =	sadd.s32 $0x1, s9  }
0x15: {  	s12 =	sadd.s32 $0x1000, s10;
	s16 =	smov.u32 s10;
	p2 =	sgt.s32 s14, $0x31  }
0x16: {  	s16 =	smov.u32 @p2 s12  }
0x17: {  	s14 =	simm.s32 @p2 $0x0;
	p2 =	sgt.s32 s16, $0xFFF  }
0x18: {  	s16 =	smov.u32 @p2 s2;
	p2 =	sne.s32 s11, s7  }
.Ltmp1:
0x19: {  	p1 =	slt.u32 s11, $0x2;
	(pc) =	sbr.rel @!p2 .LBB1_6-.Ltmp1, $4  }
0x1a: {  	s15 =	simm.s32 @!p1 $0x2  }
0x1b: {  	s13 =	smov.u32 s10;
	p0 =	por !p0, !p0;
	_ =	swait.ge @!p1 [sflag:s15], $0x2000  }
0x1c: {  	s12 =	smov.u32 s9;
	[sflag:s15] =	ssyncset.done @!p1 $0x0;
	s9 =	smov.u32 s14  }
0x1d: {  	s11 =	sadd.s32 $0x1, s11;
	[sflag:s15] =	ssyncadd.s32 @!p1 $0xFFFFE000;
	s10 =	smov.u32 s16  }
.LBB1_1:
0x1e: {  	p1 =	sge.u32 s11, s5  }
0x1f: {  	s14 =	sand.u32 @!p1 $0x1FFFFFF, s9  }
0x20: {  	s15 =	smulhi.u32 @!p1 $0x4924925, s14;
	_ =	sdelay $0x1  }
0x21: {  	s15 =	smul.u32 @!p1 $0x38, s15  }
0x22: {  	s16 =	sxor.u32 @!p1 $0xFFFFFFFF, s11;
	s17 =	smul.u32 @!p1 $0x380, s10  }
0x23: {  	s31 =	sadd.s32 $0xFFFFFFFF, s11;
	s16 =	sshll.u32 @!p1 s16, $0xD;
	s14 =	ssub.s32 @!p1 s14, s15  }
0x24: {  	s15 =	sand.u32 @!p1 $0x2000, s16;
	s16 =	sadd.s32 @!p1 s6, s17;
	s14 =	sshll.u32 @!p1 s14, $0x4  }
0x25: {  	s17 =	simm.s32 @!p1 $0x1C00;
	s14 =	sadd.s32 @!p1 s14, s16;
	s16 =	simm.s32 @!p1 $0x40  }
0x26: {  	[tilespmem:s15], [sflag:$0x1] =	stream.strided.gather @!p1 [hbm4b:s14+s16], $0x2000, s17, s16, $0x38;
	[tilespmem:$0x8080] =	vst v63  }
0x27: {  	p1 =	sge.u32 s31, s5  }
.Ltmp2:
0x28: {  	_ = 	snop;
	(pc) =	sbr.rel @p1 .LBB1_5-.Ltmp2, $1  }
0x29: {  	_ =	sdelay $0x3  }
0x2a: {  	s14 =	simm.s32 $0x1  }
0x2b: {  	_ =	swait.ge [sflag:s4], $0x2000;
	s14 =	simm.s32 @!p0 $0x0  }
0x2c: {  	[sflag:s4] =	ssyncset.done $0x0;
	s15 =	sshll.u32 s14, $0xD  }
0x2d: {  	[sflag:s4] =	ssyncadd.s32 $0xFFFFE000;
	s18 =	sor.u32 $0x20, s15  }
0x2e: {  	s14 =	smul.u32 $0x8100, s14;
	v3 =	vld [tilespmem:s18+$0x10]  }
0x2f: {  	s30 =	sand.u32 $0x1, s11;
	v2 =	vld [tilespmem:s18+$0xFFFFFFF0]  }
0x30: {  	s15 =	smul.u32 $0x8100, s30;
	s14 =	sshrl.u32 s14, $0x2;
	v0 =	vld [tilespmem:s18+$0x0]  }
0x31: {  	v1 =	vld [tilespmem:s18+$0xFFFFFFE0];
	s16 =	sor.u32 $0x4000, s14  }
0x32: {  	s31 =	sshrl.u32 s15, $0x2;
	s15 =	sadd.s32 $0x0, s16  }
0x33: {  	s17 =	simm.s32 $0x4;
	s18 =	sadd.s32 $0x40, s18;
	s14 =	sor.u32 $0x4000, s31;
	[tilespmem:s15+$0x1830 ss:$0x81] =	vst.msk $0xffff, v3  }
.LBB1_3:
0x34: {  	v3 =	vld [tilespmem:s18+$0x10];
	p1 =	sne.s32 s17, $0x1FC;
	[tilespmem:s15+$0x810 ss:$0x81] =	vst.msk $0xffff, v2;
	s19 =	smov.u32 s17;
	s17 =	sadd.s32 $0x4, s17  }
.Ltmp3:
0x35: {  	v2 =	vld [tilespmem:s18+$0xFFFFFFF0];
	[tilespmem:s15+$0x1020 ss:$0x81] =	vst.msk $0xffff, v0;
	(pc) =	sbr.rel @p1 .LBB1_3-.Ltmp3, $4  }
0x36: {  	v0 =	vld [tilespmem:s18+$0x0];
	[tilespmem:s15+$0x0 ss:$0x81] =	vst.msk $0xffff, v1  }
0x37: {  	s15 =	sshra.s32 s19, $0x2;
	v1 =	vld [tilespmem:s18+$0xFFFFFFE0]  }
0x38: {  	s15 =	sadd.s32 s15, s16  }
0x39: {  	s18 =	sadd.s32 $0x40, s18;
	[tilespmem:s15+$0x1830 ss:$0x81] =	vst.msk $0xffff, v3  }
.Ltmp4:
0x3a: {  	_ = 	snop;
	(pc) =	sbr.rel .LBB1_4-.Ltmp4, $1  }
0x3b: {  	_ =	sdelay $0x3  }
.LBB1_6:
0x3c: {  	_ =	sfence.sel $0x180000  }
0x3d: {  	s2 =	simm.s32 $0x1;
	[bflag:$0x0] =	sbarrier.arrive $0xFFFF  }
0x3e: {  	s31 =	simm.s32 $0x2;
	[sflag:s2] =	ssyncpa.u1 $0x1  }
0x3f: {  	[sflag:s31] =	ssyncpa.u1 $0x1  }
0x40: {  	p0 =	sne.s32 s0, $0x0;
	_ =	strace $0x9000004A  }
0x41: {  	s0 =	sadd.s32 @!p0 $0x100000, s1;
	[bflag:$0x2] =	sbarrier.arrive $0xFFFF  }
0x42: {  	[sflag:s0] =	ssyncadd.tile.s32 @!p0 $0x1;
	_ =	shalt  }
.Lfunc_end1:
_tile_overlayer_lowered:
.L_overlay_start_2:
0x43: {  	(tag) =	ssettag $0x2  }
0x44: {  	s0 =	rddreg [dreg:$0x0];
	s2 =	stileid.u32  }
0x45: {  	s1 =	rddreg [dreg:$0x1];
	p0 =	sne.s32 s2, $0x0  }
0x46: {  	s3 =	rddreg [dreg:$0x2];
	[bflag:$0x3] =	sbarrier.arrive $0xFFFF;
	s2 =	simm.s32 @!p0 $0x1C01  }
0x47: {  	[timem:s3], [sflag:s2] =	dma.local @!p0 [hbm:s0], s1  }
0x48: {  	s0 =	simm.s32 @!p0 $0x1  }
0x49: {  	_ =	swait.ge @!p0 [sflag:s0], s1  }
0x4a: {  	s1 =	ssub.s32 @!p0 $0x0, s1;
	[sflag:s0] =	ssyncset.done @!p0 $0x0  }
0x4b: {  	[sflag:s0] =	ssyncadd.s32 @!p0 s1  }
0x4c: {  	[bflag:$0x3] =	sbarrier.arrive $0xFFFF  }
0x4d: {  	_ =	shalt  }

</sc_bundles>
